<compile_context>
chip_gen: v7x
topology: tpu7x:2x2x1
jax: 0.10.2.dev20260603
libtpu: 0.0.44.dev20260713+nightly
codegen_flags: <defaults>
</compile_context>

<pallas_src>
import jax
import jax.numpy as jnp
from jax import lax
from jax.experimental import pallas as pl
from jax.experimental.pallas import tpu as pltpu
from jax.experimental.pallas import tpu_sc as plsc

BATCH = 4096
SEQ = 200
HID = 64
ROWS = BATCH * SEQ
NC = 2
NS = 16
NW = NC * NS
CHUNK = 800
NCHUNK = ROWS // (NW * CHUNK)
NGATHER = 8
GLEN = CHUNK // NGATHER
SEQ_PER_CHUNK = CHUNK // SEQ
LANES = 16
VPR = HID // LANES


def _emb_body(ids_hbm, table_hbm, pos_hbm, out_hbm,
              idx_v, rows_v, pos_v, gsem0, gsem1, osem0, osem1):
    c = lax.axis_index("c")
    s = lax.axis_index("s")
    wid = s * NC + c
    pltpu.sync_copy(pos_hbm, pos_v)

    gsems = (gsem0, gsem1)
    osems = (osem0, osem1)

    def fire(j, slot):
        pltpu.sync_copy(ids_hbm.at[wid * NCHUNK + j], idx_v.at[slot])
        for g in range(NGATHER):
            pltpu.async_copy(
                table_hbm.at[idx_v.at[slot, g]],
                rows_v.at[slot, pl.ds(g * GLEN, GLEN), :],
                gsems[slot])

    def gwait(slot):
        for g in range(NGATHER):
            pltpu.make_async_copy(
                table_hbm.at[idx_v.at[slot, g]],
                rows_v.at[slot, pl.ds(g * GLEN, GLEN), :],
                gsems[slot]).wait()

    def compute(slot):
        def pbody(p, carry):
            for v in range(VPR):
                pv = pos_v[p, pl.ds(v * LANES, LANES)]
                for q in range(SEQ_PER_CHUNK):
                    r = q * SEQ + p
                    plsc.addupdate(rows_v.at[slot, r, pl.ds(v * LANES, LANES)],
                                   pv)
            return carry
        lax.fori_loop(0, SEQ, pbody, 0)

    def ostart(j, slot):
        base = (wid * NCHUNK + j) * CHUNK
        pltpu.async_copy(rows_v.at[slot], out_hbm.at[pl.ds(base, CHUNK)],
                         osems[slot])

    def owait(slot):
        pltpu.make_async_copy(rows_v.at[slot], out_hbm.at[pl.ds(0, CHUNK)],
                              osems[slot]).wait()

    fire(0, 0)

    def step(i, carry):
        j0 = 2 * i

        @pl.when(j0 > 0)
        def _():
            owait(1)
        fire(j0 + 1, 1)
        gwait(0)
        compute(0)
        ostart(j0, 0)

        @pl.when(j0 + 2 < NCHUNK)
        def _():
            owait(0)
            fire(j0 + 2, 0)
        gwait(1)
        compute(1)
        ostart(j0 + 1, 1)
        return carry

    lax.fori_loop(0, NCHUNK // 2, step, 0)
    owait(0)
    owait(1)


def kernel(input_ids, item_table, pos_table):
    ids = input_ids.reshape(NW * NCHUNK, NGATHER, GLEN).astype(jnp.int32)
    mesh = plsc.VectorSubcoreMesh(core_axis_name="c", subcore_axis_name="s")
    f = pl.kernel(
        _emb_body,
        out_type=jax.ShapeDtypeStruct((ROWS, HID), jnp.float32),
        mesh=mesh,
        compiler_params=pltpu.CompilerParams(use_tc_tiling_on_sc=False),
        scratch_types=[
            pltpu.VMEM((2, NGATHER, GLEN), jnp.int32),
            pltpu.VMEM((2, CHUNK, HID), jnp.float32),
            pltpu.VMEM((SEQ, HID), jnp.float32),
            pltpu.SemaphoreType.DMA,
            pltpu.SemaphoreType.DMA,
            pltpu.SemaphoreType.DMA,
            pltpu.SemaphoreType.DMA,
        ],
    )
    out = f(ids, item_table, pos_table)
    return out.reshape(BATCH, SEQ, HID)

# --- scband reference (transcript-rebuilt; emitter-appended) ---
"""Pipeline reference for scband-item-embedding-3083786519220 (READ-ONLY COPY).

The authoritative reference and input builder live on the scoring server;
editing this copy changes nothing except your own understanding.
"""

import jax, jax.numpy as jnp
import numpy as np

ITEM_SIZE = 1000000
HIDDEN_SIZE = 64
MAX_SEQ_LENGTH = 200
BATCH = 4096
SEQ_LEN = 200

def setup_inputs(seed: int = 0) -> dict:
    key = jax.random.key(seed)
    k1, k2, k3 = jax.random.split(key, 3)
    input_ids = jax.random.randint(k1, (BATCH, SEQ_LEN), 0, ITEM_SIZE, dtype=jnp.int64 if jax.config.jax_enable_x64 else jnp.int32)
    item_table = jax.random.normal(k2, (ITEM_SIZE, HIDDEN_SIZE), dtype=jnp.float32) * 0.02
    # padding_idx=0 -> row 0 is zeros
    item_table = item_table.at[0].set(0.0)
    pos_table = jax.random.normal(k3, (MAX_SEQ_LENGTH, HIDDEN_SIZE), dtype=jnp.float32) * 0.02
    return {"input_ids": input_ids, "item_table": item_table, "pos_table": pos_table}

def reference(input_ids, item_table, pos_table):
    # item embedding lookup: [B, S, H]
    item_emb = jnp.take(item_table, input_ids, axis=0)
    # positional embedding: [S, H]
    seq_length = input_ids.shape[1]
    position_ids = jnp.arange(seq_length)
    position_emb = jnp.take(pos_table, position_ids, axis=0)
    # broadcast add: [B, S, H] + [S, H]
    return item_emb + position_emb

if __name__ == "__main__":
    import jax
    _d = setup_inputs()
    print(jax.jit(kernel)(*tuple(_d.values())))

</pallas_src>

<mosaic_0001>
#map = affine_map<(d0, d1) -> (0, 0, 0)>
#map1 = affine_map<(d0, d1) -> (0, 0)>
module attributes {stable_mosaic.version = 14 : i64} {
  func.func @_emb_body(%arg0: i32, %arg1: i32, %arg2: memref<1024x8x100xi32, #tpu.memory_space<hbm>>, %arg3: memref<1000000x64xf32, #tpu.memory_space<hbm>>, %arg4: memref<200x64xf32, #tpu.memory_space<hbm>>, %arg5: memref<819200x64xf32, #tpu.memory_space<hbm>>, %arg6: memref<2x8x100xi32, #tpu.memory_space<vmem>>, %arg7: memref<2x800x64xf32, #tpu.memory_space<vmem>>, %arg8: memref<200x64xf32, #tpu.memory_space<vmem>>, %arg9: memref<!tpu.dma_semaphore, #tpu.memory_space<semaphore_mem>>, %arg10: memref<!tpu.dma_semaphore, #tpu.memory_space<semaphore_mem>>, %arg11: memref<!tpu.dma_semaphore, #tpu.memory_space<semaphore_mem>>, %arg12: memref<!tpu.dma_semaphore, #tpu.memory_space<semaphore_mem>>) attributes {dimension_semantics = [#tpu.dimension_semantics<core_parallel>, #tpu.dimension_semantics<subcore_parallel>], iteration_bounds = array<i64: 2, 16>, scalar_prefetch = 0 : i64, scratch_operands = 7 : i64, tpu.core_type = #tpu.core_type<sc_vector_subcore>, window_params = [{transform_indices = #map}, {transform_indices = #map1}, {transform_indices = #map1}, {transform_indices = #map1}]} {
    %mul3A = arith.constant 2 : i32
    %mul3A_0 = arith.muli %arg1, %mul3A : i32
    %add3A = arith.addi %mul3A_0, %arg0 : i32
    "tpu.region"() ({
      %run_scoped3A_142 = tpu.sem_alloc : memref<!tpu.dma_semaphore, #tpu.memory_space<semaphore_mem>>
      tpu.enqueue_dma source(%arg4 : memref<200x64xf32, #tpu.memory_space<hbm>>) target(%arg8 : memref<200x64xf32, #tpu.memory_space<vmem>>) target_semaphore(%run_scoped3A_142 : memref<!tpu.dma_semaphore, #tpu.memory_space<semaphore_mem>>)
      tpu.wait_dma2 semaphore(%run_scoped3A_142 : memref<!tpu.dma_semaphore, #tpu.memory_space<semaphore_mem>>) src(%arg4 : memref<200x64xf32, #tpu.memory_space<hbm>>) dst(%arg8 : memref<200x64xf32, #tpu.memory_space<vmem>>)
      tpu.yield
    }) : () -> ()
    %mul3A_1 = arith.constant 32 : i32
    %mul3A_2 = arith.muli %add3A, %mul3A_1 : i32
    %add3A_3 = arith.constant 0 : i32
    %add3A_4 = arith.addi %mul3A_2, %add3A_3 : i32
    %run_scoped3A = arith.constant 0 : i32
    "tpu.region"() ({
      %run_scoped3A_142 = tpu.sem_alloc : memref<!tpu.dma_semaphore, #tpu.memory_space<semaphore_mem>>
      %dma_start3A_143 = arith.constant 0 : i32
      %dma_start3A_144 = arith.constant 0 : i32
      %dma_start3A_145 = tpu.memref_slice %arg6[%run_scoped3A, %dma_start3A_143, %dma_start3A_144] : memref<2x8x100xi32, #tpu.memory_space<vmem>> -> memref<1x8x100xi32, #tpu.memory_space<vmem>>
      %dma_start3A_146 = tpu.memref_squeeze %dma_start3A_145 : memref<1x8x100xi32, #tpu.memory_space<vmem>> -> memref<8x100xi32, #tpu.memory_space<vmem>>
      %dma_start3A_147 = arith.constant 0 : i32
      %dma_start3A_148 = arith.constant 0 : i32
      %dma_start3A_149 = tpu.memref_slice %arg2[%add3A_4, %dma_start3A_147, %dma_start3A_148] : memref<1024x8x100xi32, #tpu.memory_space<hbm>> -> memref<1x8x100xi32, #tpu.memory_space<hbm>>
      %dma_start3A_150 = tpu.memref_squeeze %dma_start3A_149 : memref<1x8x100xi32, #tpu.memory_space<hbm>> -> memref<8x100xi32, #tpu.memory_space<hbm>>
      %dma_start3A_151 = arith.constant 0 : i32
      %dma_start3A_152 = arith.constant 0 : i32
      %dma_start3A_153 = tpu.memref_slice %arg6[%run_scoped3A, %dma_start3A_151, %dma_start3A_152] : memref<2x8x100xi32, #tpu.memory_space<vmem>> -> memref<1x8x100xi32, #tpu.memory_space<vmem>>
      %dma_start3A_154 = tpu.memref_squeeze %dma_start3A_153 : memref<1x8x100xi32, #tpu.memory_space<vmem>> -> memref<8x100xi32, #tpu.memory_space<vmem>>
      %dma_start3A_155 = arith.constant 0 : i32
      %dma_start3A_156 = arith.constant 0 : i32
      %dma_start3A_157 = tpu.memref_slice %arg2[%add3A_4, %dma_start3A_155, %dma_start3A_156] : memref<1024x8x100xi32, #tpu.memory_space<hbm>> -> memref<1x8x100xi32, #tpu.memory_space<hbm>>
      %dma_start3A_158 = tpu.memref_squeeze %dma_start3A_157 : memref<1x8x100xi32, #tpu.memory_space<hbm>> -> memref<8x100xi32, #tpu.memory_space<hbm>>
      tpu.enqueue_dma source(%dma_start3A_158 : memref<8x100xi32, #tpu.memory_space<hbm>>) target(%dma_start3A_154 : memref<8x100xi32, #tpu.memory_space<vmem>>) target_semaphore(%run_scoped3A_142 : memref<!tpu.dma_semaphore, #tpu.memory_space<semaphore_mem>>)
      %dma_wait3A_159 = arith.constant 0 : i32
      %dma_wait3A_160 = arith.constant 0 : i32
      %dma_wait3A_161 = tpu.memref_slice %arg6[%run_scoped3A, %dma_wait3A_159, %dma_wait3A_160] : memref<2x8x100xi32, #tpu.memory_space<vmem>> -> memref<1x8x100xi32, #tpu.memory_space<vmem>>
      %dma_wait3A_162 = tpu.memref_squeeze %dma_wait3A_161 : memref<1x8x100xi32, #tpu.memory_space<vmem>> -> memref<8x100xi32, #tpu.memory_space<vmem>>
      %dma_wait3A_163 = arith.constant 0 : i32
      %dma_wait3A_164 = arith.constant 0 : i32
      %dma_wait3A_165 = tpu.memref_slice %arg2[%add3A_4, %dma_wait3A_163, %dma_wait3A_164] : memref<1024x8x100xi32, #tpu.memory_space<hbm>> -> memref<1x8x100xi32, #tpu.memory_space<hbm>>
      %dma_wait3A_166 = tpu.memref_squeeze %dma_wait3A_165 : memref<1x8x100xi32, #tpu.memory_space<hbm>> -> memref<8x100xi32, #tpu.memory_space<hbm>>
      %dma_wait3A_167 = arith.constant 0 : i32
      %dma_wait3A_168 = arith.constant 0 : i32
      %dma_wait3A_169 = tpu.memref_slice %arg6[%run_scoped3A, %dma_wait3A_167, %dma_wait3A_168] : memref<2x8x100xi32, #tpu.memory_space<vmem>> -> memref<1x8x100xi32, #tpu.memory_space<vmem>>
      %dma_wait3A_170 = tpu.memref_squeeze %dma_wait3A_169 : memref<1x8x100xi32, #tpu.memory_space<vmem>> -> memref<8x100xi32, #tpu.memory_space<vmem>>
      %dma_wait3A_171 = arith.constant 0 : i32
      %dma_wait3A_172 = arith.constant 0 : i32
      %dma_wait3A_173 = tpu.memref_slice %arg2[%add3A_4, %dma_wait3A_171, %dma_wait3A_172] : memref<1024x8x100xi32, #tpu.memory_space<hbm>> -> memref<1x8x100xi32, #tpu.memory_space<hbm>>
      %dma_wait3A_174 = tpu.memref_squeeze %dma_wait3A_173 : memref<1x8x100xi32, #tpu.memory_space<hbm>> -> memref<8x100xi32, #tpu.memory_space<hbm>>
      tpu.wait_dma2 semaphore(%run_scoped3A_142 : memref<!tpu.dma_semaphore, #tpu.memory_space<semaphore_mem>>) src(%dma_wait3A_174 : memref<8x100xi32, #tpu.memory_space<hbm>>) dst(%dma_wait3A_170 : memref<8x100xi32, #tpu.memory_space<vmem>>)
      tpu.yield
    }) : () -> ()
    %dma_start3A = arith.constant 0 : i32
    %dma_start3A_5 = arith.constant 0 : i32
    %dma_start3A_6 = arith.constant 0 : i32
    %dma_start3A_7 = arith.constant 0 : i32
    %dma_start3A_8 = arith.constant 0 : i32
    %dma_start3A_9 = tpu.memref_slice %arg7[%dma_start3A_6, %dma_start3A_7, %dma_start3A_8] : memref<2x800x64xf32, #tpu.memory_space<vmem>> -> memref<1x100x64xf32, #tpu.memory_space<vmem>>
    %dma_start3A_10 = tpu.memref_squeeze %dma_start3A_9 : memref<1x100x64xf32, #tpu.memory_space<vmem>> -> memref<100x64xf32, #tpu.memory_space<vmem>>
    %dma_start3A_11 = arith.constant 0 : i32
    %dma_start3A_12 = tpu.memref_slice %arg6[%dma_start3A, %dma_start3A_5, %dma_start3A_11] : memref<2x8x100xi32, #tpu.memory_space<vmem>> -> memref<1x1x100xi32, #tpu.memory_space<vmem>>
    %dma_start3A_13 = tpu.memref_squeeze %dma_start3A_12 : memref<1x1x100xi32, #tpu.memory_space<vmem>> -> memref<100xi32, #tpu.memory_space<vmem>>
    %dma_start3A_14 = arith.constant 0 : i32
    %dma_start3A_15 = arith.constant 0 : i32
    %dma_start3A_16 = tpu.memref_slice %arg3[%dma_start3A_14, %dma_start3A_15] : memref<1000000x64xf32, #tpu.memory_space<hbm>> -> memref<1000000x64xf32, #tpu.memory_space<hbm>>
    tpu.enqueue_indirect_dma source(%dma_start3A_16 : memref<1000000x64xf32, #tpu.memory_space<hbm>>) target(%dma_start3A_10 : memref<100x64xf32, #tpu.memory_space<vmem>>) offsets(%dma_start3A_13 : memref<100xi32, #tpu.memory_space<vmem>>) semaphore(%arg9 : memref<!tpu.dma_semaphore, #tpu.memory_space<semaphore_mem>>)
    %dma_start3A_17 = arith.constant 0 : i32
    %dma_start3A_18 = arith.constant 1 : i32
    %dma_start3A_19 = arith.constant 0 : i32
    %dma_start3A_20 = arith.constant 100 : i32
    %dma_start3A_21 = arith.constant 0 : i32
    %dma_start3A_22 = tpu.memref_slice %arg7[%dma_start3A_19, %dma_start3A_20, %dma_start3A_21] : memref<2x800x64xf32, #tpu.memory_space<vmem>> -> memref<1x100x64xf32, #tpu.memory_space<vmem>>
    %dma_start3A_23 = tpu.memref_squeeze %dma_start3A_22 : memref<1x100x64xf32, #tpu.memory_space<vmem>> -> memref<100x64xf32, #tpu.memory_space<vmem>>
    %dma_start3A_24 = arith.constant 0 : i32
    %dma_start3A_25 = tpu.memref_slice %arg6[%dma_start3A_17, %dma_start3A_18, %dma_start3A_24] : memref<2x8x100xi32, #tpu.memory_space<vmem>> -> memref<1x1x100xi32, #tpu.memory_space<vmem>>
    %dma_start3A_26 = tpu.memref_squeeze %dma_start3A_25 : memref<1x1x100xi32, #tpu.memory_space<vmem>> -> memref<100xi32, #tpu.memory_space<vmem>>
    %dma_start3A_27 = arith.constant 0 : i32
    %dma_start3A_28 = arith.constant 0 : i32
    %dma_start3A_29 = tpu.memref_slice %arg3[%dma_start3A_27, %dma_start3A_28] : memref<1000000x64xf32, #tpu.memory_space<hbm>> -> memref<1000000x64xf32, #tpu.memory_space<hbm>>
    tpu.enqueue_indirect_dma source(%dma_start3A_29 : memref<1000000x64xf32, #tpu.memory_space<hbm>>) target(%dma_start3A_23 : memref<100x64xf32, #tpu.memory_space<vmem>>) offsets(%dma_start3A_26 : memref<100xi32, #tpu.memory_space<vmem>>) semaphore(%arg9 : memref<!tpu.dma_semaphore, #tpu.memory_space<semaphore_mem>>)
    %dma_start3A_30 = arith.constant 0 : i32
    %dma_start3A_31 = arith.constant 2 : i32
    %dma_start3A_32 = arith.constant 0 : i32
    %dma_start3A_33 = arith.constant 200 : i32
    %dma_start3A_34 = arith.constant 0 : i32
    %dma_start3A_35 = tpu.memref_slice %arg7[%dma_start3A_32, %dma_start3A_33, %dma_start3A_34] : memref<2x800x64xf32, #tpu.memory_space<vmem>> -> memref<1x100x64xf32, #tpu.memory_space<vmem>>
    %dma_start3A_36 = tpu.memref_squeeze %dma_start3A_35 : memref<1x100x64xf32, #tpu.memory_space<vmem>> -> memref<100x64xf32, #tpu.memory_space<vmem>>
    %dma_start3A_37 = arith.constant 0 : i32
    %dma_start3A_38 = tpu.memref_slice %arg6[%dma_start3A_30, %dma_start3A_31, %dma_start3A_37] : memref<2x8x100xi32, #tpu.memory_space<vmem>> -> memref<1x1x100xi32, #tpu.memory_space<vmem>>
    %dma_start3A_39 = tpu.memref_squeeze %dma_start3A_38 : memref<1x1x100xi32, #tpu.memory_space<vmem>> -> memref<100xi32, #tpu.memory_space<vmem>>
    %dma_start3A_40 = arith.constant 0 : i32
    %dma_start3A_41 = arith.constant 0 : i32
    %dma_start3A_42 = tpu.memref_slice %arg3[%dma_start3A_40, %dma_start3A_41] : memref<1000000x64xf32, #tpu.memory_space<hbm>> -> memref<1000000x64xf32, #tpu.memory_space<hbm>>
    tpu.enqueue_indirect_dma source(%dma_start3A_42 : memref<1000000x64xf32, #tpu.memory_space<hbm>>) target(%dma_start3A_36 : memref<100x64xf32, #tpu.memory_space<vmem>>) offsets(%dma_start3A_39 : memref<100xi32, #tpu.memory_space<vmem>>) semaphore(%arg9 : memref<!tpu.dma_semaphore, #tpu.memory_space<semaphore_mem>>)
    %dma_start3A_43 = arith.constant 0 : i32
    %dma_start3A_44 = arith.constant 3 : i32
    %dma_start3A_45 = arith.constant 0 : i32
    %dma_start3A_46 = arith.constant 300 : i32
    %dma_start3A_47 = arith.constant 0 : i32
    %dma_start3A_48 = tpu.memref_slice %arg7[%dma_start3A_45, %dma_start3A_46, %dma_start3A_47] : memref<2x800x64xf32, #tpu.memory_space<vmem>> -> memref<1x100x64xf32, #tpu.memory_space<vmem>>
    %dma_start3A_49 = tpu.memref_squeeze %dma_start3A_48 : memref<1x100x64xf32, #tpu.memory_space<vmem>> -> memref<100x64xf32, #tpu.memory_space<vmem>>
    %dma_start3A_50 = arith.constant 0 : i32
    %dma_start3A_51 = tpu.memref_slice %arg6[%dma_start3A_43, %dma_start3A_44, %dma_start3A_50] : memref<2x8x100xi32, #tpu.memory_space<vmem>> -> memref<1x1x100xi32, #tpu.memory_space<vmem>>
    %dma_start3A_52 = tpu.memref_squeeze %dma_start3A_51 : memref<1x1x100xi32, #tpu.memory_space<vmem>> -> memref<100xi32, #tpu.memory_space<vmem>>
    %dma_start3A_53 = arith.constant 0 : i32
    %dma_start3A_54 = arith.constant 0 : i32
    %dma_start3A_55 = tpu.memref_slice %arg3[%dma_start3A_53, %dma_start3A_54] : memref<1000000x64xf32, #tpu.memory_space<hbm>> -> memref<1000000x64xf32, #tpu.memory_space<hbm>>
    tpu.enqueue_indirect_dma source(%dma_start3A_55 : memref<1000000x64xf32, #tpu.memory_space<hbm>>) target(%dma_start3A_49 : memref<100x64xf32, #tpu.memory_space<vmem>>) offsets(%dma_start3A_52 : memref<100xi32, #tpu.memory_space<vmem>>) semaphore(%arg9 : memref<!tpu.dma_semaphore, #tpu.memory_space<semaphore_mem>>)
    %dma_start3A_56 = arith.constant 0 : i32
    %dma_start3A_57 = arith.constant 4 : i32
    %dma_start3A_58 = arith.constant 0 : i32
    %dma_start3A_59 = arith.constant 400 : i32
    %dma_start3A_60 = arith.constant 0 : i32
    %dma_start3A_61 = tpu.memref_slice %arg7[%dma_start3A_58, %dma_start3A_59, %dma_start3A_60] : memref<2x800x64xf32, #tpu.memory_space<vmem>> -> memref<1x100x64xf32, #tpu.memory_space<vmem>>
    %dma_start3A_62 = tpu.memref_squeeze %dma_start3A_61 : memref<1x100x64xf32, #tpu.memory_space<vmem>> -> memref<100x64xf32, #tpu.memory_space<vmem>>
    %dma_start3A_63 = arith.constant 0 : i32
    %dma_start3A_64 = tpu.memref_slice %arg6[%dma_start3A_56, %dma_start3A_57, %dma_start3A_63] : memref<2x8x100xi32, #tpu.memory_space<vmem>> -> memref<1x1x100xi32, #tpu.memory_space<vmem>>
    %dma_start3A_65 = tpu.memref_squeeze %dma_start3A_64 : memref<1x1x100xi32, #tpu.memory_space<vmem>> -> memref<100xi32, #tpu.memory_space<vmem>>
    %dma_start3A_66 = arith.constant 0 : i32
    %dma_start3A_67 = arith.constant 0 : i32
    %dma_start3A_68 = tpu.memref_slice %arg3[%dma_start3A_66, %dma_start3A_67] : memref<1000000x64xf32, #tpu.memory_space<hbm>> -> memref<1000000x64xf32, #tpu.memory_space<hbm>>
    tpu.enqueue_indirect_dma source(%dma_start3A_68 : memref<1000000x64xf32, #tpu.memory_space<hbm>>) target(%dma_start3A_62 : memref<100x64xf32, #tpu.memory_space<vmem>>) offsets(%dma_start3A_65 : memref<100xi32, #tpu.memory_space<vmem>>) semaphore(%arg9 : memref<!tpu.dma_semaphore, #tpu.memory_space<semaphore_mem>>)
    %dma_start3A_69 = arith.constant 0 : i32
    %dma_start3A_70 = arith.constant 5 : i32
    %dma_start3A_71 = arith.constant 0 : i32
    %dma_start3A_72 = arith.constant 500 : i32
    %dma_start3A_73 = arith.constant 0 : i32
    %dma_start3A_74 = tpu.memref_slice %arg7[%dma_start3A_71, %dma_start3A_72, %dma_start3A_73] : memref<2x800x64xf32, #tpu.memory_space<vmem>> -> memref<1x100x64xf32, #tpu.memory_space<vmem>>
    %dma_start3A_75 = tpu.memref_squeeze %dma_start3A_74 : memref<1x100x64xf32, #tpu.memory_space<vmem>> -> memref<100x64xf32, #tpu.memory_space<vmem>>
    %dma_start3A_76 = arith.constant 0 : i32
    %dma_start3A_77 = tpu.memref_slice %arg6[%dma_start3A_69, %dma_start3A_70, %dma_start3A_76] : memref<2x8x100xi32, #tpu.memory_space<vmem>> -> memref<1x1x100xi32, #tpu.memory_space<vmem>>
    %dma_start3A_78 = tpu.memref_squeeze %dma_start3A_77 : memref<1x1x100xi32, #tpu.memory_space<vmem>> -> memref<100xi32, #tpu.memory_space<vmem>>
    %dma_start3A_79 = arith.constant 0 : i32
    %dma_start3A_80 = arith.constant 0 : i32
    %dma_start3A_81 = tpu.memref_slice %arg3[%dma_start3A_79, %dma_start3A_80] : memref<1000000x64xf32, #tpu.memory_space<hbm>> -> memref<1000000x64xf32, #tpu.memory_space<hbm>>
    tpu.enqueue_indirect_dma source(%dma_start3A_81 : memref<1000000x64xf32, #tpu.memory_space<hbm>>) target(%dma_start3A_75 : memref<100x64xf32, #tpu.memory_space<vmem>>) offsets(%dma_start3A_78 : memref<100xi32, #tpu.memory_space<vmem>>) semaphore(%arg9 : memref<!tpu.dma_semaphore, #tpu.memory_space<semaphore_mem>>)
    %dma_start3A_82 = arith.constant 0 : i32
    %dma_start3A_83 = arith.constant 6 : i32
    %dma_start3A_84 = arith.constant 0 : i32
    %dma_start3A_85 = arith.constant 600 : i32
    %dma_start3A_86 = arith.constant 0 : i32
    %dma_start3A_87 = tpu.memref_slice %arg7[%dma_start3A_84, %dma_start3A_85, %dma_start3A_86] : memref<2x800x64xf32, #tpu.memory_space<vmem>> -> memref<1x100x64xf32, #tpu.memory_space<vmem>>
    %dma_start3A_88 = tpu.memref_squeeze %dma_start3A_87 : memref<1x100x64xf32, #tpu.memory_space<vmem>> -> memref<100x64xf32, #tpu.memory_space<vmem>>
    %dma_start3A_89 = arith.constant 0 : i32
    %dma_start3A_90 = tpu.memref_slice %arg6[%dma_start3A_82, %dma_start3A_83, %dma_start3A_89] : memref<2x8x100xi32, #tpu.memory_space<vmem>> -> memref<1x1x100xi32, #tpu.memory_space<vmem>>
    %dma_start3A_91 = tpu.memref_squeeze %dma_start3A_90 : memref<1x1x100xi32, #tpu.memory_space<vmem>> -> memref<100xi32, #tpu.memory_space<vmem>>
    %dma_start3A_92 = arith.constant 0 : i32
    %dma_start3A_93 = arith.constant 0 : i32
    %dma_start3A_94 = tpu.memref_slice %arg3[%dma_start3A_92, %dma_start3A_93] : memref<1000000x64xf32, #tpu.memory_space<hbm>> -> memref<1000000x64xf32, #tpu.memory_space<hbm>>
    tpu.enqueue_indirect_dma source(%dma_start3A_94 : memref<1000000x64xf32, #tpu.memory_space<hbm>>) target(%dma_start3A_88 : memref<100x64xf32, #tpu.memory_space<vmem>>) offsets(%dma_start3A_91 : memref<100xi32, #tpu.memory_space<vmem>>) semaphore(%arg9 : memref<!tpu.dma_semaphore, #tpu.memory_space<semaphore_mem>>)
    %dma_start3A_95 = arith.constant 0 : i32
    %dma_start3A_96 = arith.constant 7 : i32
    %dma_start3A_97 = arith.constant 0 : i32
    %dma_start3A_98 = arith.constant 700 : i32
    %dma_start3A_99 = arith.constant 0 : i32
    %dma_start3A_100 = tpu.memref_slice %arg7[%dma_start3A_97, %dma_start3A_98, %dma_start3A_99] : memref<2x800x64xf32, #tpu.memory_space<vmem>> -> memref<1x100x64xf32, #tpu.memory_space<vmem>>
    %dma_start3A_101 = tpu.memref_squeeze %dma_start3A_100 : memref<1x100x64xf32, #tpu.memory_space<vmem>> -> memref<100x64xf32, #tpu.memory_space<vmem>>
    %dma_start3A_102 = arith.constant 0 : i32
    %dma_start3A_103 = tpu.memref_slice %arg6[%dma_start3A_95, %dma_start3A_96, %dma_start3A_102] : memref<2x8x100xi32, #tpu.memory_space<vmem>> -> memref<1x1x100xi32, #tpu.memory_space<vmem>>
    %dma_start3A_104 = tpu.memref_squeeze %dma_start3A_103 : memref<1x1x100xi32, #tpu.memory_space<vmem>> -> memref<100xi32, #tpu.memory_space<vmem>>
    %dma_start3A_105 = arith.constant 0 : i32
    %dma_start3A_106 = arith.constant 0 : i32
    %dma_start3A_107 = tpu.memref_slice %arg3[%dma_start3A_105, %dma_start3A_106] : memref<1000000x64xf32, #tpu.memory_space<hbm>> -> memref<1000000x64xf32, #tpu.memory_space<hbm>>
    tpu.enqueue_indirect_dma source(%dma_start3A_107 : memref<1000000x64xf32, #tpu.memory_space<hbm>>) target(%dma_start3A_101 : memref<100x64xf32, #tpu.memory_space<vmem>>) offsets(%dma_start3A_104 : memref<100xi32, #tpu.memory_space<vmem>>) semaphore(%arg9 : memref<!tpu.dma_semaphore, #tpu.memory_space<semaphore_mem>>)
    %scan3A = arith.constant 0 : i32
    %scan3A_108 = arith.constant 0 : i32
    %scan3A_109 = arith.constant 16 : i32
    %scan3A_110 = arith.addi %scan3A_108, %scan3A_109 : i32
    %scan3A_111 = arith.constant 1 : i32
    scf.for %scan3A_142 = %scan3A_108 to %scan3A_110 step %scan3A_111  : i32 {
      %mul3A_143 = arith.constant 2 : i32
      %mul3A_144 = arith.muli %mul3A_143, %scan3A_142 : i32
      %gt3A = arith.constant 0 : i32
      %gt3A_145 = arith.cmpi sgt, %mul3A_144, %gt3A : i32
      %convert_element_type3A = arith.extui %gt3A_145 : i1 to i32
      %cond3A = arith.constant 0 : i32
      %cond3A_146 = arith.cmpi ne, %convert_element_type3A, %cond3A : i32
      scf.if %cond3A_146 {
        %dma_wait3A_521 = arith.constant 1 : i32
        %dma_wait3A_522 = arith.constant 0 : i32
        %dma_wait3A_523 = arith.constant 0 : i32
        %dma_wait3A_524 = tpu.memref_slice %arg7[%dma_wait3A_521, %dma_wait3A_522, %dma_wait3A_523] : memref<2x800x64xf32, #tpu.memory_space<vmem>> -> memref<1x800x64xf32, #tpu.memory_space<vmem>>
        %dma_wait3A_525 = tpu.memref_squeeze %dma_wait3A_524 : memref<1x800x64xf32, #tpu.memory_space<vmem>> -> memref<800x64xf32, #tpu.memory_space<vmem>>
        %dma_wait3A_526 = arith.constant 0 : i32
        %dma_wait3A_527 = arith.constant 0 : i32
        %dma_wait3A_528 = tpu.memref_slice %arg5[%dma_wait3A_526, %dma_wait3A_527] : memref<819200x64xf32, #tpu.memory_space<hbm>> -> memref<800x64xf32, #tpu.memory_space<hbm>>
        %dma_wait3A_529 = arith.constant 0 : i32
        %dma_wait3A_530 = arith.constant 0 : i32
        %dma_wait3A_531 = tpu.memref_slice %arg5[%dma_wait3A_529, %dma_wait3A_530] : memref<819200x64xf32, #tpu.memory_space<hbm>> -> memref<800x64xf32, #tpu.memory_space<hbm>>
        %dma_wait3A_532 = arith.constant 0 : i32
        %dma_wait3A_533 = arith.constant 0 : i32
        %dma_wait3A_534 = tpu.memref_slice %arg7[%dma_wait3A_521, %dma_wait3A_532, %dma_wait3A_533] : memref<2x800x64xf32, #tpu.memory_space<vmem>> -> memref<1x800x64xf32, #tpu.memory_space<vmem>>
        %dma_wait3A_535 = tpu.memref_squeeze %dma_wait3A_534 : memref<1x800x64xf32, #tpu.memory_space<vmem>> -> memref<800x64xf32, #tpu.memory_space<vmem>>
        tpu.wait_dma2 semaphore(%arg12 : memref<!tpu.dma_semaphore, #tpu.memory_space<semaphore_mem>>) src(%dma_wait3A_535 : memref<800x64xf32, #tpu.memory_space<vmem>>) dst(%dma_wait3A_531 : memref<800x64xf32, #tpu.memory_space<hbm>>)
      } else {
      }
      %add3A_147 = arith.constant 1 : i32
      %add3A_148 = arith.addi %mul3A_144, %add3A_147 : i32
      %mul3A_149 = arith.constant 32 : i32
      %mul3A_150 = arith.muli %add3A, %mul3A_149 : i32
      %add3A_151 = arith.addi %mul3A_150, %add3A_148 : i32
      %run_scoped3A_152 = arith.constant 1 : i32
      "tpu.region"() ({
        %run_scoped3A_521 = tpu.sem_alloc : memref<!tpu.dma_semaphore, #tpu.memory_space<semaphore_mem>>
        %dma_start3A_522 = arith.constant 0 : i32
        %dma_start3A_523 = arith.constant 0 : i32
        %dma_start3A_524 = tpu.memref_slice %arg6[%run_scoped3A_152, %dma_start3A_522, %dma_start3A_523] : memref<2x8x100xi32, #tpu.memory_space<vmem>> -> memref<1x8x100xi32, #tpu.memory_space<vmem>>
        %dma_start3A_525 = tpu.memref_squeeze %dma_start3A_524 : memref<1x8x100xi32, #tpu.memory_space<vmem>> -> memref<8x100xi32, #tpu.memory_space<vmem>>
        %dma_start3A_526 = arith.constant 0 : i32
        %dma_start3A_527 = arith.constant 0 : i32
        %dma_start3A_528 = tpu.memref_slice %arg2[%add3A_151, %dma_start3A_526, %dma_start3A_527] : memref<1024x8x100xi32, #tpu.memory_space<hbm>> -> memref<1x8x100xi32, #tpu.memory_space<hbm>>
        %dma_start3A_529 = tpu.memref_squeeze %dma_start3A_528 : memref<1x8x100xi32, #tpu.memory_space<hbm>> -> memref<8x100xi32, #tpu.memory_space<hbm>>
        %dma_start3A_530 = arith.constant 0 : i32
        %dma_start3A_531 = arith.constant 0 : i32
        %dma_start3A_532 = tpu.memref_slice %arg6[%run_scoped3A_152, %dma_start3A_530, %dma_start3A_531] : memref<2x8x100xi32, #tpu.memory_space<vmem>> -> memref<1x8x100xi32, #tpu.memory_space<vmem>>
        %dma_start3A_533 = tpu.memref_squeeze %dma_start3A_532 : memref<1x8x100xi32, #tpu.memory_space<vmem>> -> memref<8x100xi32, #tpu.memory_space<vmem>>
        %dma_start3A_534 = arith.constant 0 : i32
        %dma_start3A_535 = arith.constant 0 : i32
        %dma_start3A_536 = tpu.memref_slice %arg2[%add3A_151, %dma_start3A_534, %dma_start3A_535] : memref<1024x8x100xi32, #tpu.memory_space<hbm>> -> memref<1x8x100xi32, #tpu.memory_space<hbm>>
        %dma_start3A_537 = tpu.memref_squeeze %dma_start3A_536 : memref<1x8x100xi32, #tpu.memory_space<hbm>> -> memref<8x100xi32, #tpu.memory_space<hbm>>
        tpu.enqueue_dma source(%dma_start3A_537 : memref<8x100xi32, #tpu.memory_space<hbm>>) target(%dma_start3A_533 : memref<8x100xi32, #tpu.memory_space<vmem>>) target_semaphore(%run_scoped3A_521 : memref<!tpu.dma_semaphore, #tpu.memory_space<semaphore_mem>>)
        %dma_wait3A_538 = arith.constant 0 : i32
        %dma_wait3A_539 = arith.constant 0 : i32
        %dma_wait3A_540 = tpu.memref_slice %arg6[%run_scoped3A_152, %dma_wait3A_538, %dma_wait3A_539] : memref<2x8x100xi32, #tpu.memory_space<vmem>> -> memref<1x8x100xi32, #tpu.memory_space<vmem>>
        %dma_wait3A_541 = tpu.memref_squeeze %dma_wait3A_540 : memref<1x8x100xi32, #tpu.memory_space<vmem>> -> memref<8x100xi32, #tpu.memory_space<vmem>>
        %dma_wait3A_542 = arith.constant 0 : i32
        %dma_wait3A_543 = arith.constant 0 : i32
        %dma_wait3A_544 = tpu.memref_slice %arg2[%add3A_151, %dma_wait3A_542, %dma_wait3A_543] : memref<1024x8x100xi32, #tpu.memory_space<hbm>> -> memref<1x8x100xi32, #tpu.memory_space<hbm>>
        %dma_wait3A_545 = tpu.memref_squeeze %dma_wait3A_544 : memref<1x8x100xi32, #tpu.memory_space<hbm>> -> memref<8x100xi32, #tpu.memory_space<hbm>>
        %dma_wait3A_546 = arith.constant 0 : i32
        %dma_wait3A_547 = arith.constant 0 : i32
        %dma_wait3A_548 = tpu.memref_slice %arg6[%run_scoped3A_152, %dma_wait3A_546, %dma_wait3A_547] : memref<2x8x100xi32, #tpu.memory_space<vmem>> -> memref<1x8x100xi32, #tpu.memory_space<vmem>>
        %dma_wait3A_549 = tpu.memref_squeeze %dma_wait3A_548 : memref<1x8x100xi32, #tpu.memory_space<vmem>> -> memref<8x100xi32, #tpu.memory_space<vmem>>
        %dma_wait3A_550 = arith.constant 0 : i32
        %dma_wait3A_551 = arith.constant 0 : i32
        %dma_wait3A_552 = tpu.memref_slice %arg2[%add3A_151, %dma_wait3A_550, %dma_wait3A_551] : memref<1024x8x100xi32, #tpu.memory_space<hbm>> -> memref<1x8x100xi32, #tpu.memory_space<hbm>>
        %dma_wait3A_553 = tpu.memref_squeeze %dma_wait3A_552 : memref<1x8x100xi32, #tpu.memory_space<hbm>> -> memref<8x100xi32, #tpu.memory_space<hbm>>
        tpu.wait_dma2 semaphore(%run_scoped3A_521 : memref<!tpu.dma_semaphore, #tpu.memory_space<semaphore_mem>>) src(%dma_wait3A_553 : memref<8x100xi32, #tpu.memory_space<hbm>>) dst(%dma_wait3A_549 : memref<8x100xi32, #tpu.memory_space<vmem>>)
        tpu.yield
      }) : () -> ()
      %dma_start3A_153 = arith.constant 1 : i32
      %dma_start3A_154 = arith.constant 0 : i32
      %dma_start3A_155 = arith.constant 1 : i32
      %dma_start3A_156 = arith.constant 0 : i32
      %dma_start3A_157 = arith.constant 0 : i32
      %dma_start3A_158 = tpu.memref_slice %arg7[%dma_start3A_155, %dma_start3A_156, %dma_start3A_157] : memref<2x800x64xf32, #tpu.memory_space<vmem>> -> memref<1x100x64xf32, #tpu.memory_space<vmem>>
      %dma_start3A_159 = tpu.memref_squeeze %dma_start3A_158 : memref<1x100x64xf32, #tpu.memory_space<vmem>> -> memref<100x64xf32, #tpu.memory_space<vmem>>
      %dma_start3A_160 = arith.constant 0 : i32
      %dma_start3A_161 = tpu.memref_slice %arg6[%dma_start3A_153, %dma_start3A_154, %dma_start3A_160] : memref<2x8x100xi32, #tpu.memory_space<vmem>> -> memref<1x1x100xi32, #tpu.memory_space<vmem>>
      %dma_start3A_162 = tpu.memref_squeeze %dma_start3A_161 : memref<1x1x100xi32, #tpu.memory_space<vmem>> -> memref<100xi32, #tpu.memory_space<vmem>>
      %dma_start3A_163 = arith.constant 0 : i32
      %dma_start3A_164 = arith.constant 0 : i32
      %dma_start3A_165 = tpu.memref_slice %arg3[%dma_start3A_163, %dma_start3A_164] : memref<1000000x64xf32, #tpu.memory_space<hbm>> -> memref<1000000x64xf32, #tpu.memory_space<hbm>>
      tpu.enqueue_indirect_dma source(%dma_start3A_165 : memref<1000000x64xf32, #tpu.memory_space<hbm>>) target(%dma_start3A_159 : memref<100x64xf32, #tpu.memory_space<vmem>>) offsets(%dma_start3A_162 : memref<100xi32, #tpu.memory_space<vmem>>) semaphore(%arg10 : memref<!tpu.dma_semaphore, #tpu.memory_space<semaphore_mem>>)
      %dma_start3A_166 = arith.constant 1 : i32
      %dma_start3A_167 = arith.constant 1 : i32
      %dma_start3A_168 = arith.constant 1 : i32
      %dma_start3A_169 = arith.constant 100 : i32
      %dma_start3A_170 = arith.constant 0 : i32
      %dma_start3A_171 = tpu.memref_slice %arg7[%dma_start3A_168, %dma_start3A_169, %dma_start3A_170] : memref<2x800x64xf32, #tpu.memory_space<vmem>> -> memref<1x100x64xf32, #tpu.memory_space<vmem>>
      %dma_start3A_172 = tpu.memref_squeeze %dma_start3A_171 : memref<1x100x64xf32, #tpu.memory_space<vmem>> -> memref<100x64xf32, #tpu.memory_space<vmem>>
      %dma_start3A_173 = arith.constant 0 : i32
      %dma_start3A_174 = tpu.memref_slice %arg6[%dma_start3A_166, %dma_start3A_167, %dma_start3A_173] : memref<2x8x100xi32, #tpu.memory_space<vmem>> -> memref<1x1x100xi32, #tpu.memory_space<vmem>>
      %dma_start3A_175 = tpu.memref_squeeze %dma_start3A_174 : memref<1x1x100xi32, #tpu.memory_space<vmem>> -> memref<100xi32, #tpu.memory_space<vmem>>
      %dma_start3A_176 = arith.constant 0 : i32
      %dma_start3A_177 = arith.constant 0 : i32
      %dma_start3A_178 = tpu.memref_slice %arg3[%dma_start3A_176, %dma_start3A_177] : memref<1000000x64xf32, #tpu.memory_space<hbm>> -> memref<1000000x64xf32, #tpu.memory_space<hbm>>
      tpu.enqueue_indirect_dma source(%dma_start3A_178 : memref<1000000x64xf32, #tpu.memory_space<hbm>>) target(%dma_start3A_172 : memref<100x64xf32, #tpu.memory_space<vmem>>) offsets(%dma_start3A_175 : memref<100xi32, #tpu.memory_space<vmem>>) semaphore(%arg10 : memref<!tpu.dma_semaphore, #tpu.memory_space<semaphore_mem>>)
      %dma_start3A_179 = arith.constant 1 : i32
      %dma_start3A_180 = arith.constant 2 : i32
      %dma_start3A_181 = arith.constant 1 : i32
      %dma_start3A_182 = arith.constant 200 : i32
      %dma_start3A_183 = arith.constant 0 : i32
      %dma_start3A_184 = tpu.memref_slice %arg7[%dma_start3A_181, %dma_start3A_182, %dma_start3A_183] : memref<2x800x64xf32, #tpu.memory_space<vmem>> -> memref<1x100x64xf32, #tpu.memory_space<vmem>>
      %dma_start3A_185 = tpu.memref_squeeze %dma_start3A_184 : memref<1x100x64xf32, #tpu.memory_space<vmem>> -> memref<100x64xf32, #tpu.memory_space<vmem>>
      %dma_start3A_186 = arith.constant 0 : i32
      %dma_start3A_187 = tpu.memref_slice %arg6[%dma_start3A_179, %dma_start3A_180, %dma_start3A_186] : memref<2x8x100xi32, #tpu.memory_space<vmem>> -> memref<1x1x100xi32, #tpu.memory_space<vmem>>
      %dma_start3A_188 = tpu.memref_squeeze %dma_start3A_187 : memref<1x1x100xi32, #tpu.memory_space<vmem>> -> memref<100xi32, #tpu.memory_space<vmem>>
      %dma_start3A_189 = arith.constant 0 : i32
      %dma_start3A_190 = arith.constant 0 : i32
      %dma_start3A_191 = tpu.memref_slice %arg3[%dma_start3A_189, %dma_start3A_190] : memref<1000000x64xf32, #tpu.memory_space<hbm>> -> memref<1000000x64xf32, #tpu.memory_space<hbm>>
      tpu.enqueue_indirect_dma source(%dma_start3A_191 : memref<1000000x64xf32, #tpu.memory_space<hbm>>) target(%dma_start3A_185 : memref<100x64xf32, #tpu.memory_space<vmem>>) offsets(%dma_start3A_188 : memref<100xi32, #tpu.memory_space<vmem>>) semaphore(%arg10 : memref<!tpu.dma_semaphore, #tpu.memory_space<semaphore_mem>>)
      %dma_start3A_192 = arith.constant 1 : i32
      %dma_start3A_193 = arith.constant 3 : i32
      %dma_start3A_194 = arith.constant 1 : i32
      %dma_start3A_195 = arith.constant 300 : i32
      %dma_start3A_196 = arith.constant 0 : i32
      %dma_start3A_197 = tpu.memref_slice %arg7[%dma_start3A_194, %dma_start3A_195, %dma_start3A_196] : memref<2x800x64xf32, #tpu.memory_space<vmem>> -> memref<1x100x64xf32, #tpu.memory_space<vmem>>
      %dma_start3A_198 = tpu.memref_squeeze %dma_start3A_197 : memref<1x100x64xf32, #tpu.memory_space<vmem>> -> memref<100x64xf32, #tpu.memory_space<vmem>>
      %dma_start3A_199 = arith.constant 0 : i32
      %dma_start3A_200 = tpu.memref_slice %arg6[%dma_start3A_192, %dma_start3A_193, %dma_start3A_199] : memref<2x8x100xi32, #tpu.memory_space<vmem>> -> memref<1x1x100xi32, #tpu.memory_space<vmem>>
      %dma_start3A_201 = tpu.memref_squeeze %dma_start3A_200 : memref<1x1x100xi32, #tpu.memory_space<vmem>> -> memref<100xi32, #tpu.memory_space<vmem>>
      %dma_start3A_202 = arith.constant 0 : i32
      %dma_start3A_203 = arith.constant 0 : i32
      %dma_start3A_204 = tpu.memref_slice %arg3[%dma_start3A_202, %dma_start3A_203] : memref<1000000x64xf32, #tpu.memory_space<hbm>> -> memref<1000000x64xf32, #tpu.memory_space<hbm>>
      tpu.enqueue_indirect_dma source(%dma_start3A_204 : memref<1000000x64xf32, #tpu.memory_space<hbm>>) target(%dma_start3A_198 : memref<100x64xf32, #tpu.memory_space<vmem>>) offsets(%dma_start3A_201 : memref<100xi32, #tpu.memory_space<vmem>>) semaphore(%arg10 : memref<!tpu.dma_semaphore, #tpu.memory_space<semaphore_mem>>)
      %dma_start3A_205 = arith.constant 1 : i32
      %dma_start3A_206 = arith.constant 4 : i32
      %dma_start3A_207 = arith.constant 1 : i32
      %dma_start3A_208 = arith.constant 400 : i32
      %dma_start3A_209 = arith.constant 0 : i32
      %dma_start3A_210 = tpu.memref_slice %arg7[%dma_start3A_207, %dma_start3A_208, %dma_start3A_209] : memref<2x800x64xf32, #tpu.memory_space<vmem>> -> memref<1x100x64xf32, #tpu.memory_space<vmem>>
      %dma_start3A_211 = tpu.memref_squeeze %dma_start3A_210 : memref<1x100x64xf32, #tpu.memory_space<vmem>> -> memref<100x64xf32, #tpu.memory_space<vmem>>
      %dma_start3A_212 = arith.constant 0 : i32
      %dma_start3A_213 = tpu.memref_slice %arg6[%dma_start3A_205, %dma_start3A_206, %dma_start3A_212] : memref<2x8x100xi32, #tpu.memory_space<vmem>> -> memref<1x1x100xi32, #tpu.memory_space<vmem>>
      %dma_start3A_214 = tpu.memref_squeeze %dma_start3A_213 : memref<1x1x100xi32, #tpu.memory_space<vmem>> -> memref<100xi32, #tpu.memory_space<vmem>>
      %dma_start3A_215 = arith.constant 0 : i32
      %dma_start3A_216 = arith.constant 0 : i32
      %dma_start3A_217 = tpu.memref_slice %arg3[%dma_start3A_215, %dma_start3A_216] : memref<1000000x64xf32, #tpu.memory_space<hbm>> -> memref<1000000x64xf32, #tpu.memory_space<hbm>>
      tpu.enqueue_indirect_dma source(%dma_start3A_217 : memref<1000000x64xf32, #tpu.memory_space<hbm>>) target(%dma_start3A_211 : memref<100x64xf32, #tpu.memory_space<vmem>>) offsets(%dma_start3A_214 : memref<100xi32, #tpu.memory_space<vmem>>) semaphore(%arg10 : memref<!tpu.dma_semaphore, #tpu.memory_space<semaphore_mem>>)
      %dma_start3A_218 = arith.constant 1 : i32
      %dma_start3A_219 = arith.constant 5 : i32
      %dma_start3A_220 = arith.constant 1 : i32
      %dma_start3A_221 = arith.constant 500 : i32
      %dma_start3A_222 = arith.constant 0 : i32
      %dma_start3A_223 = tpu.memref_slice %arg7[%dma_start3A_220, %dma_start3A_221, %dma_start3A_222] : memref<2x800x64xf32, #tpu.memory_space<vmem>> -> memref<1x100x64xf32, #tpu.memory_space<vmem>>
      %dma_start3A_224 = tpu.memref_squeeze %dma_start3A_223 : memref<1x100x64xf32, #tpu.memory_space<vmem>> -> memref<100x64xf32, #tpu.memory_space<vmem>>
      %dma_start3A_225 = arith.constant 0 : i32
      %dma_start3A_226 = tpu.memref_slice %arg6[%dma_start3A_218, %dma_start3A_219, %dma_start3A_225] : memref<2x8x100xi32, #tpu.memory_space<vmem>> -> memref<1x1x100xi32, #tpu.memory_space<vmem>>
      %dma_start3A_227 = tpu.memref_squeeze %dma_start3A_226 : memref<1x1x100xi32, #tpu.memory_space<vmem>> -> memref<100xi32, #tpu.memory_space<vmem>>
      %dma_start3A_228 = arith.constant 0 : i32
      %dma_start3A_229 = arith.constant 0 : i32
      %dma_start3A_230 = tpu.memref_slice %arg3[%dma_start3A_228, %dma_start3A_229] : memref<1000000x64xf32, #tpu.memory_space<hbm>> -> memref<1000000x64xf32, #tpu.memory_space<hbm>>
      tpu.enqueue_indirect_dma source(%dma_start3A_230 : memref<1000000x64xf32, #tpu.memory_space<hbm>>) target(%dma_start3A_224 : memref<100x64xf32, #tpu.memory_space<vmem>>) offsets(%dma_start3A_227 : memref<100xi32, #tpu.memory_space<vmem>>) semaphore(%arg10 : memref<!tpu.dma_semaphore, #tpu.memory_space<semaphore_mem>>)
      %dma_start3A_231 = arith.constant 1 : i32
      %dma_start3A_232 = arith.constant 6 : i32
      %dma_start3A_233 = arith.constant 1 : i32
      %dma_start3A_234 = arith.constant 600 : i32
      %dma_start3A_235 = arith.constant 0 : i32
      %dma_start3A_236 = tpu.memref_slice %arg7[%dma_start3A_233, %dma_start3A_234, %dma_start3A_235] : memref<2x800x64xf32, #tpu.memory_space<vmem>> -> memref<1x100x64xf32, #tpu.memory_space<vmem>>
      %dma_start3A_237 = tpu.memref_squeeze %dma_start3A_236 : memref<1x100x64xf32, #tpu.memory_space<vmem>> -> memref<100x64xf32, #tpu.memory_space<vmem>>
      %dma_start3A_238 = arith.constant 0 : i32
      %dma_start3A_239 = tpu.memref_slice %arg6[%dma_start3A_231, %dma_start3A_232, %dma_start3A_238] : memref<2x8x100xi32, #tpu.memory_space<vmem>> -> memref<1x1x100xi32, #tpu.memory_space<vmem>>
      %dma_start3A_240 = tpu.memref_squeeze %dma_start3A_239 : memref<1x1x100xi32, #tpu.memory_space<vmem>> -> memref<100xi32, #tpu.memory_space<vmem>>
      %dma_start3A_241 = arith.constant 0 : i32
      %dma_start3A_242 = arith.constant 0 : i32
      %dma_start3A_243 = tpu.memref_slice %arg3[%dma_start3A_241, %dma_start3A_242] : memref<1000000x64xf32, #tpu.memory_space<hbm>> -> memref<1000000x64xf32, #tpu.memory_space<hbm>>
      tpu.enqueue_indirect_dma source(%dma_start3A_243 : memref<1000000x64xf32, #tpu.memory_space<hbm>>) target(%dma_start3A_237 : memref<100x64xf32, #tpu.memory_space<vmem>>) offsets(%dma_start3A_240 : memref<100xi32, #tpu.memory_space<vmem>>) semaphore(%arg10 : memref<!tpu.dma_semaphore, #tpu.memory_space<semaphore_mem>>)
      %dma_start3A_244 = arith.constant 1 : i32
      %dma_start3A_245 = arith.constant 7 : i32
      %dma_start3A_246 = arith.constant 1 : i32
      %dma_start3A_247 = arith.constant 700 : i32
      %dma_start3A_248 = arith.constant 0 : i32
      %dma_start3A_249 = tpu.memref_slice %arg7[%dma_start3A_246, %dma_start3A_247, %dma_start3A_248] : memref<2x800x64xf32, #tpu.memory_space<vmem>> -> memref<1x100x64xf32, #tpu.memory_space<vmem>>
      %dma_start3A_250 = tpu.memref_squeeze %dma_start3A_249 : memref<1x100x64xf32, #tpu.memory_space<vmem>> -> memref<100x64xf32, #tpu.memory_space<vmem>>
      %dma_start3A_251 = arith.constant 0 : i32
      %dma_start3A_252 = tpu.memref_slice %arg6[%dma_start3A_244, %dma_start3A_245, %dma_start3A_251] : memref<2x8x100xi32, #tpu.memory_space<vmem>> -> memref<1x1x100xi32, #tpu.memory_space<vmem>>
      %dma_start3A_253 = tpu.memref_squeeze %dma_start3A_252 : memref<1x1x100xi32, #tpu.memory_space<vmem>> -> memref<100xi32, #tpu.memory_space<vmem>>
      %dma_start3A_254 = arith.constant 0 : i32
      %dma_start3A_255 = arith.constant 0 : i32
      %dma_start3A_256 = tpu.memref_slice %arg3[%dma_start3A_254, %dma_start3A_255] : memref<1000000x64xf32, #tpu.memory_space<hbm>> -> memref<1000000x64xf32, #tpu.memory_space<hbm>>
      tpu.enqueue_indirect_dma source(%dma_start3A_256 : memref<1000000x64xf32, #tpu.memory_space<hbm>>) target(%dma_start3A_250 : memref<100x64xf32, #tpu.memory_space<vmem>>) offsets(%dma_start3A_253 : memref<100xi32, #tpu.memory_space<vmem>>) semaphore(%arg10 : memref<!tpu.dma_semaphore, #tpu.memory_space<semaphore_mem>>)
      %dma_wait3A_257 = arith.constant 0 : i32
      %dma_wait3A_258 = arith.constant 0 : i32
      %dma_wait3A_259 = arith.constant 0 : i32
      %dma_wait3A_260 = arith.constant 0 : i32
      %dma_wait3A_261 = arith.constant 0 : i32
      %dma_wait3A_262 = tpu.memref_slice %arg7[%dma_wait3A_259, %dma_wait3A_260, %dma_wait3A_261] : memref<2x800x64xf32, #tpu.memory_space<vmem>> -> memref<1x100x64xf32, #tpu.memory_space<vmem>>
      %dma_wait3A_263 = tpu.memref_squeeze %dma_wait3A_262 : memref<1x100x64xf32, #tpu.memory_space<vmem>> -> memref<100x64xf32, #tpu.memory_space<vmem>>
      %dma_wait3A_264 = arith.constant 0 : i32
      %dma_wait3A_265 = tpu.memref_slice %arg6[%dma_wait3A_257, %dma_wait3A_258, %dma_wait3A_264] : memref<2x8x100xi32, #tpu.memory_space<vmem>> -> memref<1x1x100xi32, #tpu.memory_space<vmem>>
      %dma_wait3A_266 = tpu.memref_squeeze %dma_wait3A_265 : memref<1x1x100xi32, #tpu.memory_space<vmem>> -> memref<100xi32, #tpu.memory_space<vmem>>
      %dma_wait3A_267 = arith.constant 0 : i32
      %dma_wait3A_268 = arith.constant 0 : i32
      %dma_wait3A_269 = tpu.memref_slice %arg3[%dma_wait3A_267, %dma_wait3A_268] : memref<1000000x64xf32, #tpu.memory_space<hbm>> -> memref<1000000x64xf32, #tpu.memory_space<hbm>>
      tpu.wait_indirect_dma semaphore(%arg9 : memref<!tpu.dma_semaphore, #tpu.memory_space<semaphore_mem>>) src(%dma_wait3A_269 : memref<1000000x64xf32, #tpu.memory_space<hbm>>) dst(%dma_wait3A_263 : memref<100x64xf32, #tpu.memory_space<vmem>>)
      %dma_wait3A_270 = arith.constant 0 : i32
      %dma_wait3A_271 = arith.constant 1 : i32
      %dma_wait3A_272 = arith.constant 0 : i32
      %dma_wait3A_273 = arith.constant 100 : i32
      %dma_wait3A_274 = arith.constant 0 : i32
      %dma_wait3A_275 = tpu.memref_slice %arg7[%dma_wait3A_272, %dma_wait3A_273, %dma_wait3A_274] : memref<2x800x64xf32, #tpu.memory_space<vmem>> -> memref<1x100x64xf32, #tpu.memory_space<vmem>>
      %dma_wait3A_276 = tpu.memref_squeeze %dma_wait3A_275 : memref<1x100x64xf32, #tpu.memory_space<vmem>> -> memref<100x64xf32, #tpu.memory_space<vmem>>
      %dma_wait3A_277 = arith.constant 0 : i32
      %dma_wait3A_278 = tpu.memref_slice %arg6[%dma_wait3A_270, %dma_wait3A_271, %dma_wait3A_277] : memref<2x8x100xi32, #tpu.memory_space<vmem>> -> memref<1x1x100xi32, #tpu.memory_space<vmem>>
      %dma_wait3A_279 = tpu.memref_squeeze %dma_wait3A_278 : memref<1x1x100xi32, #tpu.memory_space<vmem>> -> memref<100xi32, #tpu.memory_space<vmem>>
      %dma_wait3A_280 = arith.constant 0 : i32
      %dma_wait3A_281 = arith.constant 0 : i32
      %dma_wait3A_282 = tpu.memref_slice %arg3[%dma_wait3A_280, %dma_wait3A_281] : memref<1000000x64xf32, #tpu.memory_space<hbm>> -> memref<1000000x64xf32, #tpu.memory_space<hbm>>
      tpu.wait_indirect_dma semaphore(%arg9 : memref<!tpu.dma_semaphore, #tpu.memory_space<semaphore_mem>>) src(%dma_wait3A_282 : memref<1000000x64xf32, #tpu.memory_space<hbm>>) dst(%dma_wait3A_276 : memref<100x64xf32, #tpu.memory_space<vmem>>)
      %dma_wait3A_283 = arith.constant 0 : i32
      %dma_wait3A_284 = arith.constant 2 : i32
      %dma_wait3A_285 = arith.constant 0 : i32
      %dma_wait3A_286 = arith.constant 200 : i32
      %dma_wait3A_287 = arith.constant 0 : i32
      %dma_wait3A_288 = tpu.memref_slice %arg7[%dma_wait3A_285, %dma_wait3A_286, %dma_wait3A_287] : memref<2x800x64xf32, #tpu.memory_space<vmem>> -> memref<1x100x64xf32, #tpu.memory_space<vmem>>
      %dma_wait3A_289 = tpu.memref_squeeze %dma_wait3A_288 : memref<1x100x64xf32, #tpu.memory_space<vmem>> -> memref<100x64xf32, #tpu.memory_space<vmem>>
      %dma_wait3A_290 = arith.constant 0 : i32
      %dma_wait3A_291 = tpu.memref_slice %arg6[%dma_wait3A_283, %dma_wait3A_284, %dma_wait3A_290] : memref<2x8x100xi32, #tpu.memory_space<vmem>> -> memref<1x1x100xi32, #tpu.memory_space<vmem>>
      %dma_wait3A_292 = tpu.memref_squeeze %dma_wait3A_291 : memref<1x1x100xi32, #tpu.memory_space<vmem>> -> memref<100xi32, #tpu.memory_space<vmem>>
      %dma_wait3A_293 = arith.constant 0 : i32
      %dma_wait3A_294 = arith.constant 0 : i32
      %dma_wait3A_295 = tpu.memref_slice %arg3[%dma_wait3A_293, %dma_wait3A_294] : memref<1000000x64xf32, #tpu.memory_space<hbm>> -> memref<1000000x64xf32, #tpu.memory_space<hbm>>
      tpu.wait_indirect_dma semaphore(%arg9 : memref<!tpu.dma_semaphore, #tpu.memory_space<semaphore_mem>>) src(%dma_wait3A_295 : memref<1000000x64xf32, #tpu.memory_space<hbm>>) dst(%dma_wait3A_289 : memref<100x64xf32, #tpu.memory_space<vmem>>)
      %dma_wait3A_296 = arith.constant 0 : i32
      %dma_wait3A_297 = arith.constant 3 : i32
      %dma_wait3A_298 = arith.constant 0 : i32
      %dma_wait3A_299 = arith.constant 300 : i32
      %dma_wait3A_300 = arith.constant 0 : i32
      %dma_wait3A_301 = tpu.memref_slice %arg7[%dma_wait3A_298, %dma_wait3A_299, %dma_wait3A_300] : memref<2x800x64xf32, #tpu.memory_space<vmem>> -> memref<1x100x64xf32, #tpu.memory_space<vmem>>
      %dma_wait3A_302 = tpu.memref_squeeze %dma_wait3A_301 : memref<1x100x64xf32, #tpu.memory_space<vmem>> -> memref<100x64xf32, #tpu.memory_space<vmem>>
      %dma_wait3A_303 = arith.constant 0 : i32
      %dma_wait3A_304 = tpu.memref_slice %arg6[%dma_wait3A_296, %dma_wait3A_297, %dma_wait3A_303] : memref<2x8x100xi32, #tpu.memory_space<vmem>> -> memref<1x1x100xi32, #tpu.memory_space<vmem>>
      %dma_wait3A_305 = tpu.memref_squeeze %dma_wait3A_304 : memref<1x1x100xi32, #tpu.memory_space<vmem>> -> memref<100xi32, #tpu.memory_space<vmem>>
      %dma_wait3A_306 = arith.constant 0 : i32
      %dma_wait3A_307 = arith.constant 0 : i32
      %dma_wait3A_308 = tpu.memref_slice %arg3[%dma_wait3A_306, %dma_wait3A_307] : memref<1000000x64xf32, #tpu.memory_space<hbm>> -> memref<1000000x64xf32, #tpu.memory_space<hbm>>
      tpu.wait_indirect_dma semaphore(%arg9 : memref<!tpu.dma_semaphore, #tpu.memory_space<semaphore_mem>>) src(%dma_wait3A_308 : memref<1000000x64xf32, #tpu.memory_space<hbm>>) dst(%dma_wait3A_302 : memref<100x64xf32, #tpu.memory_space<vmem>>)
      %dma_wait3A_309 = arith.constant 0 : i32
      %dma_wait3A_310 = arith.constant 4 : i32
      %dma_wait3A_311 = arith.constant 0 : i32
      %dma_wait3A_312 = arith.constant 400 : i32
      %dma_wait3A_313 = arith.constant 0 : i32
      %dma_wait3A_314 = tpu.memref_slice %arg7[%dma_wait3A_311, %dma_wait3A_312, %dma_wait3A_313] : memref<2x800x64xf32, #tpu.memory_space<vmem>> -> memref<1x100x64xf32, #tpu.memory_space<vmem>>
      %dma_wait3A_315 = tpu.memref_squeeze %dma_wait3A_314 : memref<1x100x64xf32, #tpu.memory_space<vmem>> -> memref<100x64xf32, #tpu.memory_space<vmem>>
      %dma_wait3A_316 = arith.constant 0 : i32
      %dma_wait3A_317 = tpu.memref_slice %arg6[%dma_wait3A_309, %dma_wait3A_310, %dma_wait3A_316] : memref<2x8x100xi32, #tpu.memory_space<vmem>> -> memref<1x1x100xi32, #tpu.memory_space<vmem>>
      %dma_wait3A_318 = tpu.memref_squeeze %dma_wait3A_317 : memref<1x1x100xi32, #tpu.memory_space<vmem>> -> memref<100xi32, #tpu.memory_space<vmem>>
      %dma_wait3A_319 = arith.constant 0 : i32
      %dma_wait3A_320 = arith.constant 0 : i32
      %dma_wait3A_321 = tpu.memref_slice %arg3[%dma_wait3A_319, %dma_wait3A_320] : memref<1000000x64xf32, #tpu.memory_space<hbm>> -> memref<1000000x64xf32, #tpu.memory_space<hbm>>
      tpu.wait_indirect_dma semaphore(%arg9 : memref<!tpu.dma_semaphore, #tpu.memory_space<semaphore_mem>>) src(%dma_wait3A_321 : memref<1000000x64xf32, #tpu.memory_space<hbm>>) dst(%dma_wait3A_315 : memref<100x64xf32, #tpu.memory_space<vmem>>)
      %dma_wait3A_322 = arith.constant 0 : i32
      %dma_wait3A_323 = arith.constant 5 : i32
      %dma_wait3A_324 = arith.constant 0 : i32
      %dma_wait3A_325 = arith.constant 500 : i32
      %dma_wait3A_326 = arith.constant 0 : i32
      %dma_wait3A_327 = tpu.memref_slice %arg7[%dma_wait3A_324, %dma_wait3A_325, %dma_wait3A_326] : memref<2x800x64xf32, #tpu.memory_space<vmem>> -> memref<1x100x64xf32, #tpu.memory_space<vmem>>
      %dma_wait3A_328 = tpu.memref_squeeze %dma_wait3A_327 : memref<1x100x64xf32, #tpu.memory_space<vmem>> -> memref<100x64xf32, #tpu.memory_space<vmem>>
      %dma_wait3A_329 = arith.constant 0 : i32
      %dma_wait3A_330 = tpu.memref_slice %arg6[%dma_wait3A_322, %dma_wait3A_323, %dma_wait3A_329] : memref<2x8x100xi32, #tpu.memory_space<vmem>> -> memref<1x1x100xi32, #tpu.memory_space<vmem>>
      %dma_wait3A_331 = tpu.memref_squeeze %dma_wait3A_330 : memref<1x1x100xi32, #tpu.memory_space<vmem>> -> memref<100xi32, #tpu.memory_space<vmem>>
      %dma_wait3A_332 = arith.constant 0 : i32
      %dma_wait3A_333 = arith.constant 0 : i32
      %dma_wait3A_334 = tpu.memref_slice %arg3[%dma_wait3A_332, %dma_wait3A_333] : memref<1000000x64xf32, #tpu.memory_space<hbm>> -> memref<1000000x64xf32, #tpu.memory_space<hbm>>
      tpu.wait_indirect_dma semaphore(%arg9 : memref<!tpu.dma_semaphore, #tpu.memory_space<semaphore_mem>>) src(%dma_wait3A_334 : memref<1000000x64xf32, #tpu.memory_space<hbm>>) dst(%dma_wait3A_328 : memref<100x64xf32, #tpu.memory_space<vmem>>)
      %dma_wait3A_335 = arith.constant 0 : i32
      %dma_wait3A_336 = arith.constant 6 : i32
      %dma_wait3A_337 = arith.constant 0 : i32
      %dma_wait3A_338 = arith.constant 600 : i32
      %dma_wait3A_339 = arith.constant 0 : i32
      %dma_wait3A_340 = tpu.memref_slice %arg7[%dma_wait3A_337, %dma_wait3A_338, %dma_wait3A_339] : memref<2x800x64xf32, #tpu.memory_space<vmem>> -> memref<1x100x64xf32, #tpu.memory_space<vmem>>
      %dma_wait3A_341 = tpu.memref_squeeze %dma_wait3A_340 : memref<1x100x64xf32, #tpu.memory_space<vmem>> -> memref<100x64xf32, #tpu.memory_space<vmem>>
      %dma_wait3A_342 = arith.constant 0 : i32
      %dma_wait3A_343 = tpu.memref_slice %arg6[%dma_wait3A_335, %dma_wait3A_336, %dma_wait3A_342] : memref<2x8x100xi32, #tpu.memory_space<vmem>> -> memref<1x1x100xi32, #tpu.memory_space<vmem>>
      %dma_wait3A_344 = tpu.memref_squeeze %dma_wait3A_343 : memref<1x1x100xi32, #tpu.memory_space<vmem>> -> memref<100xi32, #tpu.memory_space<vmem>>
      %dma_wait3A_345 = arith.constant 0 : i32
      %dma_wait3A_346 = arith.constant 0 : i32
      %dma_wait3A_347 = tpu.memref_slice %arg3[%dma_wait3A_345, %dma_wait3A_346] : memref<1000000x64xf32, #tpu.memory_space<hbm>> -> memref<1000000x64xf32, #tpu.memory_space<hbm>>
      tpu.wait_indirect_dma semaphore(%arg9 : memref<!tpu.dma_semaphore, #tpu.memory_space<semaphore_mem>>) src(%dma_wait3A_347 : memref<1000000x64xf32, #tpu.memory_space<hbm>>) dst(%dma_wait3A_341 : memref<100x64xf32, #tpu.memory_space<vmem>>)
      %dma_wait3A_348 = arith.constant 0 : i32
      %dma_wait3A_349 = arith.constant 7 : i32
      %dma_wait3A_350 = arith.constant 0 : i32
      %dma_wait3A_351 = arith.constant 700 : i32
      %dma_wait3A_352 = arith.constant 0 : i32
      %dma_wait3A_353 = tpu.memref_slice %arg7[%dma_wait3A_350, %dma_wait3A_351, %dma_wait3A_352] : memref<2x800x64xf32, #tpu.memory_space<vmem>> -> memref<1x100x64xf32, #tpu.memory_space<vmem>>
      %dma_wait3A_354 = tpu.memref_squeeze %dma_wait3A_353 : memref<1x100x64xf32, #tpu.memory_space<vmem>> -> memref<100x64xf32, #tpu.memory_space<vmem>>
      %dma_wait3A_355 = arith.constant 0 : i32
      %dma_wait3A_356 = tpu.memref_slice %arg6[%dma_wait3A_348, %dma_wait3A_349, %dma_wait3A_355] : memref<2x8x100xi32, #tpu.memory_space<vmem>> -> memref<1x1x100xi32, #tpu.memory_space<vmem>>
      %dma_wait3A_357 = tpu.memref_squeeze %dma_wait3A_356 : memref<1x1x100xi32, #tpu.memory_space<vmem>> -> memref<100xi32, #tpu.memory_space<vmem>>
      %dma_wait3A_358 = arith.constant 0 : i32
      %dma_wait3A_359 = arith.constant 0 : i32
      %dma_wait3A_360 = tpu.memref_slice %arg3[%dma_wait3A_358, %dma_wait3A_359] : memref<1000000x64xf32, #tpu.memory_space<hbm>> -> memref<1000000x64xf32, #tpu.memory_space<hbm>>
      tpu.wait_indirect_dma semaphore(%arg9 : memref<!tpu.dma_semaphore, #tpu.memory_space<semaphore_mem>>) src(%dma_wait3A_360 : memref<1000000x64xf32, #tpu.memory_space<hbm>>) dst(%dma_wait3A_354 : memref<100x64xf32, #tpu.memory_space<vmem>>)
      %scan3A_361 = arith.constant 0 : i32
      %scan3A_362 = arith.constant 0 : i32
      %scan3A_363 = arith.constant 200 : i32
      %scan3A_364 = arith.addi %scan3A_362, %scan3A_363 : i32
      %scan3A_365 = arith.constant 1 : i32
      scf.for %scan3A_521 = %scan3A_362 to %scan3A_364 step %scan3A_365  : i32 {
        %get3A = arith.index_cast %scan3A_521 : i32 to index
        %get3A_522 = arith.constant 0 : index
        %get3A_523 = tpu.vector_load %arg8[%get3A, %get3A_522] {strides = array<i32>} : memref<200x64xf32, #tpu.memory_space<vmem>>, vector<1x16xf32>,
        %get3A_524 = vector.shape_cast %get3A_523 : vector<1x16xf32> to vector<16xf32>
        %add3A_525 = arith.constant 0 : i32
        %add3A_526 = arith.addi %add3A_525, %scan3A_521 : i32
        %swap3A = arith.constant 0 : i32
        %swap3A_527 = arith.index_cast %swap3A : i32 to index
        %swap3A_528 = arith.index_cast %add3A_526 : i32 to index
        %swap3A_529 = arith.constant 0 : index
        %swap3A_530 = tpu.vector_load %arg7[%swap3A_527, %swap3A_528, %swap3A_529] {strides = array<i32>} : memref<2x800x64xf32, #tpu.memory_space<vmem>>, vector<1x1x16xf32>,
        %swap3A_531 = vector.shape_cast %swap3A_530 : vector<1x1x16xf32> to vector<16xf32>
        %swap3A_532 = vector.shape_cast %get3A_524 : vector<16xf32> to vector<1x1x16xf32>
        tpu.vector_store %arg7[%swap3A_527, %swap3A_528, %swap3A_529], %swap3A_532 {add = true, strides = array<i32>} : memref<2x800x64xf32, #tpu.memory_space<vmem>>, vector<1x1x16xf32>,
        %add3A_533 = arith.constant 200 : i32
        %add3A_534 = arith.addi %add3A_533, %scan3A_521 : i32
        %swap3A_535 = arith.constant 0 : i32
        %swap3A_536 = arith.index_cast %swap3A_535 : i32 to index
        %swap3A_537 = arith.index_cast %add3A_534 : i32 to index
        %swap3A_538 = arith.constant 0 : index
        %swap3A_539 = tpu.vector_load %arg7[%swap3A_536, %swap3A_537, %swap3A_538] {strides = array<i32>} : memref<2x800x64xf32, #tpu.memory_space<vmem>>, vector<1x1x16xf32>,
        %swap3A_540 = vector.shape_cast %swap3A_539 : vector<1x1x16xf32> to vector<16xf32>
        %swap3A_541 = vector.shape_cast %get3A_524 : vector<16xf32> to vector<1x1x16xf32>
        tpu.vector_store %arg7[%swap3A_536, %swap3A_537, %swap3A_538], %swap3A_541 {add = true, strides = array<i32>} : memref<2x800x64xf32, #tpu.memory_space<vmem>>, vector<1x1x16xf32>,
        %add3A_542 = arith.constant 400 : i32
        %add3A_543 = arith.addi %add3A_542, %scan3A_521 : i32
        %swap3A_544 = arith.constant 0 : i32
        %swap3A_545 = arith.index_cast %swap3A_544 : i32 to index
        %swap3A_546 = arith.index_cast %add3A_543 : i32 to index
        %swap3A_547 = arith.constant 0 : index
        %swap3A_548 = tpu.vector_load %arg7[%swap3A_545, %swap3A_546, %swap3A_547] {strides = array<i32>} : memref<2x800x64xf32, #tpu.memory_space<vmem>>, vector<1x1x16xf32>,
        %swap3A_549 = vector.shape_cast %swap3A_548 : vector<1x1x16xf32> to vector<16xf32>
        %swap3A_550 = vector.shape_cast %get3A_524 : vector<16xf32> to vector<1x1x16xf32>
        tpu.vector_store %arg7[%swap3A_545, %swap3A_546, %swap3A_547], %swap3A_550 {add = true, strides = array<i32>} : memref<2x800x64xf32, #tpu.memory_space<vmem>>, vector<1x1x16xf32>,
        %add3A_551 = arith.constant 600 : i32
        %add3A_552 = arith.addi %add3A_551, %scan3A_521 : i32
        %swap3A_553 = arith.constant 0 : i32
        %swap3A_554 = arith.index_cast %swap3A_553 : i32 to index
        %swap3A_555 = arith.index_cast %add3A_552 : i32 to index
        %swap3A_556 = arith.constant 0 : index
        %swap3A_557 = tpu.vector_load %arg7[%swap3A_554, %swap3A_555, %swap3A_556] {strides = array<i32>} : memref<2x800x64xf32, #tpu.memory_space<vmem>>, vector<1x1x16xf32>,
        %swap3A_558 = vector.shape_cast %swap3A_557 : vector<1x1x16xf32> to vector<16xf32>
        %swap3A_559 = vector.shape_cast %get3A_524 : vector<16xf32> to vector<1x1x16xf32>
        tpu.vector_store %arg7[%swap3A_554, %swap3A_555, %swap3A_556], %swap3A_559 {add = true, strides = array<i32>} : memref<2x800x64xf32, #tpu.memory_space<vmem>>, vector<1x1x16xf32>,
        %get3A_560 = arith.index_cast %scan3A_521 : i32 to index
        %get3A_561 = arith.constant 16 : index
        %get3A_562 = tpu.vector_load %arg8[%get3A_560, %get3A_561] {strides = array<i32>} : memref<200x64xf32, #tpu.memory_space<vmem>>, vector<1x16xf32>,
        %get3A_563 = vector.shape_cast %get3A_562 : vector<1x16xf32> to vector<16xf32>
        %add3A_564 = arith.constant 0 : i32
        %add3A_565 = arith.addi %add3A_564, %scan3A_521 : i32
        %swap3A_566 = arith.constant 0 : i32
        %swap3A_567 = arith.index_cast %swap3A_566 : i32 to index
        %swap3A_568 = arith.index_cast %add3A_565 : i32 to index
        %swap3A_569 = arith.constant 16 : index
        %swap3A_570 = tpu.vector_load %arg7[%swap3A_567, %swap3A_568, %swap3A_569] {strides = array<i32>} : memref<2x800x64xf32, #tpu.memory_space<vmem>>, vector<1x1x16xf32>,
        %swap3A_571 = vector.shape_cast %swap3A_570 : vector<1x1x16xf32> to vector<16xf32>
        %swap3A_572 = vector.shape_cast %get3A_563 : vector<16xf32> to vector<1x1x16xf32>
        tpu.vector_store %arg7[%swap3A_567, %swap3A_568, %swap3A_569], %swap3A_572 {add = true, strides = array<i32>} : memref<2x800x64xf32, #tpu.memory_space<vmem>>, vector<1x1x16xf32>,
        %add3A_573 = arith.constant 200 : i32
        %add3A_574 = arith.addi %add3A_573, %scan3A_521 : i32
        %swap3A_575 = arith.constant 0 : i32
        %swap3A_576 = arith.index_cast %swap3A_575 : i32 to index
        %swap3A_577 = arith.index_cast %add3A_574 : i32 to index
        %swap3A_578 = arith.constant 16 : index
        %swap3A_579 = tpu.vector_load %arg7[%swap3A_576, %swap3A_577, %swap3A_578] {strides = array<i32>} : memref<2x800x64xf32, #tpu.memory_space<vmem>>, vector<1x1x16xf32>,
        %swap3A_580 = vector.shape_cast %swap3A_579 : vector<1x1x16xf32> to vector<16xf32>
        %swap3A_581 = vector.shape_cast %get3A_563 : vector<16xf32> to vector<1x1x16xf32>
        tpu.vector_store %arg7[%swap3A_576, %swap3A_577, %swap3A_578], %swap3A_581 {add = true, strides = array<i32>} : memref<2x800x64xf32, #tpu.memory_space<vmem>>, vector<1x1x16xf32>,
        %add3A_582 = arith.constant 400 : i32
        %add3A_583 = arith.addi %add3A_582, %scan3A_521 : i32
        %swap3A_584 = arith.constant 0 : i32
        %swap3A_585 = arith.index_cast %swap3A_584 : i32 to index
        %swap3A_586 = arith.index_cast %add3A_583 : i32 to index
        %swap3A_587 = arith.constant 16 : index
        %swap3A_588 = tpu.vector_load %arg7[%swap3A_585, %swap3A_586, %swap3A_587] {strides = array<i32>} : memref<2x800x64xf32, #tpu.memory_space<vmem>>, vector<1x1x16xf32>,
        %swap3A_589 = vector.shape_cast %swap3A_588 : vector<1x1x16xf32> to vector<16xf32>
        %swap3A_590 = vector.shape_cast %get3A_563 : vector<16xf32> to vector<1x1x16xf32>
        tpu.vector_store %arg7[%swap3A_585, %swap3A_586, %swap3A_587], %swap3A_590 {add = true, strides = array<i32>} : memref<2x800x64xf32, #tpu.memory_space<vmem>>, vector<1x1x16xf32>,
        %add3A_591 = arith.constant 600 : i32
        %add3A_592 = arith.addi %add3A_591, %scan3A_521 : i32
        %swap3A_593 = arith.constant 0 : i32
        %swap3A_594 = arith.index_cast %swap3A_593 : i32 to index
        %swap3A_595 = arith.index_cast %add3A_592 : i32 to index
        %swap3A_596 = arith.constant 16 : index
        %swap3A_597 = tpu.vector_load %arg7[%swap3A_594, %swap3A_595, %swap3A_596] {strides = array<i32>} : memref<2x800x64xf32, #tpu.memory_space<vmem>>, vector<1x1x16xf32>,
        %swap3A_598 = vector.shape_cast %swap3A_597 : vector<1x1x16xf32> to vector<16xf32>
        %swap3A_599 = vector.shape_cast %get3A_563 : vector<16xf32> to vector<1x1x16xf32>
        tpu.vector_store %arg7[%swap3A_594, %swap3A_595, %swap3A_596], %swap3A_599 {add = true, strides = array<i32>} : memref<2x800x64xf32, #tpu.memory_space<vmem>>, vector<1x1x16xf32>,
        %get3A_600 = arith.index_cast %scan3A_521 : i32 to index
        %get3A_601 = arith.constant 32 : index
        %get3A_602 = tpu.vector_load %arg8[%get3A_600, %get3A_601] {strides = array<i32>} : memref<200x64xf32, #tpu.memory_space<vmem>>, vector<1x16xf32>,
        %get3A_603 = vector.shape_cast %get3A_602 : vector<1x16xf32> to vector<16xf32>
        %add3A_604 = arith.constant 0 : i32
        %add3A_605 = arith.addi %add3A_604, %scan3A_521 : i32
        %swap3A_606 = arith.constant 0 : i32
        %swap3A_607 = arith.index_cast %swap3A_606 : i32 to index
        %swap3A_608 = arith.index_cast %add3A_605 : i32 to index
        %swap3A_609 = arith.constant 32 : index
        %swap3A_610 = tpu.vector_load %arg7[%swap3A_607, %swap3A_608, %swap3A_609] {strides = array<i32>} : memref<2x800x64xf32, #tpu.memory_space<vmem>>, vector<1x1x16xf32>,
        %swap3A_611 = vector.shape_cast %swap3A_610 : vector<1x1x16xf32> to vector<16xf32>
        %swap3A_612 = vector.shape_cast %get3A_603 : vector<16xf32> to vector<1x1x16xf32>
        tpu.vector_store %arg7[%swap3A_607, %swap3A_608, %swap3A_609], %swap3A_612 {add = true, strides = array<i32>} : memref<2x800x64xf32, #tpu.memory_space<vmem>>, vector<1x1x16xf32>,
        %add3A_613 = arith.constant 200 : i32
        %add3A_614 = arith.addi %add3A_613, %scan3A_521 : i32
        %swap3A_615 = arith.constant 0 : i32
        %swap3A_616 = arith.index_cast %swap3A_615 : i32 to index
        %swap3A_617 = arith.index_cast %add3A_614 : i32 to index
        %swap3A_618 = arith.constant 32 : index
        %swap3A_619 = tpu.vector_load %arg7[%swap3A_616, %swap3A_617, %swap3A_618] {strides = array<i32>} : memref<2x800x64xf32, #tpu.memory_space<vmem>>, vector<1x1x16xf32>,
        %swap3A_620 = vector.shape_cast %swap3A_619 : vector<1x1x16xf32> to vector<16xf32>
        %swap3A_621 = vector.shape_cast %get3A_603 : vector<16xf32> to vector<1x1x16xf32>
        tpu.vector_store %arg7[%swap3A_616, %swap3A_617, %swap3A_618], %swap3A_621 {add = true, strides = array<i32>} : memref<2x800x64xf32, #tpu.memory_space<vmem>>, vector<1x1x16xf32>,
        %add3A_622 = arith.constant 400 : i32
        %add3A_623 = arith.addi %add3A_622, %scan3A_521 : i32
        %swap3A_624 = arith.constant 0 : i32
        %swap3A_625 = arith.index_cast %swap3A_624 : i32 to index
        %swap3A_626 = arith.index_cast %add3A_623 : i32 to index
        %swap3A_627 = arith.constant 32 : index
        %swap3A_628 = tpu.vector_load %arg7[%swap3A_625, %swap3A_626, %swap3A_627] {strides = array<i32>} : memref<2x800x64xf32, #tpu.memory_space<vmem>>, vector<1x1x16xf32>,
        %swap3A_629 = vector.shape_cast %swap3A_628 : vector<1x1x16xf32> to vector<16xf32>
        %swap3A_630 = vector.shape_cast %get3A_603 : vector<16xf32> to vector<1x1x16xf32>
        tpu.vector_store %arg7[%swap3A_625, %swap3A_626, %swap3A_627], %swap3A_630 {add = true, strides = array<i32>} : memref<2x800x64xf32, #tpu.memory_space<vmem>>, vector<1x1x16xf32>,
        %add3A_631 = arith.constant 600 : i32
        %add3A_632 = arith.addi %add3A_631, %scan3A_521 : i32
        %swap3A_633 = arith.constant 0 : i32
        %swap3A_634 = arith.index_cast %swap3A_633 : i32 to index
        %swap3A_635 = arith.index_cast %add3A_632 : i32 to index
        %swap3A_636 = arith.constant 32 : index
        %swap3A_637 = tpu.vector_load %arg7[%swap3A_634, %swap3A_635, %swap3A_636] {strides = array<i32>} : memref<2x800x64xf32, #tpu.memory_space<vmem>>, vector<1x1x16xf32>,
        %swap3A_638 = vector.shape_cast %swap3A_637 : vector<1x1x16xf32> to vector<16xf32>
        %swap3A_639 = vector.shape_cast %get3A_603 : vector<16xf32> to vector<1x1x16xf32>
        tpu.vector_store %arg7[%swap3A_634, %swap3A_635, %swap3A_636], %swap3A_639 {add = true, strides = array<i32>} : memref<2x800x64xf32, #tpu.memory_space<vmem>>, vector<1x1x16xf32>,
        %get3A_640 = arith.index_cast %scan3A_521 : i32 to index
        %get3A_641 = arith.constant 48 : index
        %get3A_642 = tpu.vector_load %arg8[%get3A_640, %get3A_641] {strides = array<i32>} : memref<200x64xf32, #tpu.memory_space<vmem>>, vector<1x16xf32>,
        %get3A_643 = vector.shape_cast %get3A_642 : vector<1x16xf32> to vector<16xf32>
        %add3A_644 = arith.constant 0 : i32
        %add3A_645 = arith.addi %add3A_644, %scan3A_521 : i32
        %swap3A_646 = arith.constant 0 : i32
        %swap3A_647 = arith.index_cast %swap3A_646 : i32 to index
        %swap3A_648 = arith.index_cast %add3A_645 : i32 to index
        %swap3A_649 = arith.constant 48 : index
        %swap3A_650 = tpu.vector_load %arg7[%swap3A_647, %swap3A_648, %swap3A_649] {strides = array<i32>} : memref<2x800x64xf32, #tpu.memory_space<vmem>>, vector<1x1x16xf32>,
        %swap3A_651 = vector.shape_cast %swap3A_650 : vector<1x1x16xf32> to vector<16xf32>
        %swap3A_652 = vector.shape_cast %get3A_643 : vector<16xf32> to vector<1x1x16xf32>
        tpu.vector_store %arg7[%swap3A_647, %swap3A_648, %swap3A_649], %swap3A_652 {add = true, strides = array<i32>} : memref<2x800x64xf32, #tpu.memory_space<vmem>>, vector<1x1x16xf32>,
        %add3A_653 = arith.constant 200 : i32
        %add3A_654 = arith.addi %add3A_653, %scan3A_521 : i32
        %swap3A_655 = arith.constant 0 : i32
        %swap3A_656 = arith.index_cast %swap3A_655 : i32 to index
        %swap3A_657 = arith.index_cast %add3A_654 : i32 to index
        %swap3A_658 = arith.constant 48 : index
        %swap3A_659 = tpu.vector_load %arg7[%swap3A_656, %swap3A_657, %swap3A_658] {strides = array<i32>} : memref<2x800x64xf32, #tpu.memory_space<vmem>>, vector<1x1x16xf32>,
        %swap3A_660 = vector.shape_cast %swap3A_659 : vector<1x1x16xf32> to vector<16xf32>
        %swap3A_661 = vector.shape_cast %get3A_643 : vector<16xf32> to vector<1x1x16xf32>
        tpu.vector_store %arg7[%swap3A_656, %swap3A_657, %swap3A_658], %swap3A_661 {add = true, strides = array<i32>} : memref<2x800x64xf32, #tpu.memory_space<vmem>>, vector<1x1x16xf32>,
        %add3A_662 = arith.constant 400 : i32
        %add3A_663 = arith.addi %add3A_662, %scan3A_521 : i32
        %swap3A_664 = arith.constant 0 : i32
        %swap3A_665 = arith.index_cast %swap3A_664 : i32 to index
        %swap3A_666 = arith.index_cast %add3A_663 : i32 to index
        %swap3A_667 = arith.constant 48 : index
        %swap3A_668 = tpu.vector_load %arg7[%swap3A_665, %swap3A_666, %swap3A_667] {strides = array<i32>} : memref<2x800x64xf32, #tpu.memory_space<vmem>>, vector<1x1x16xf32>,
        %swap3A_669 = vector.shape_cast %swap3A_668 : vector<1x1x16xf32> to vector<16xf32>
        %swap3A_670 = vector.shape_cast %get3A_643 : vector<16xf32> to vector<1x1x16xf32>
        tpu.vector_store %arg7[%swap3A_665, %swap3A_666, %swap3A_667], %swap3A_670 {add = true, strides = array<i32>} : memref<2x800x64xf32, #tpu.memory_space<vmem>>, vector<1x1x16xf32>,
        %add3A_671 = arith.constant 600 : i32
        %add3A_672 = arith.addi %add3A_671, %scan3A_521 : i32
        %swap3A_673 = arith.constant 0 : i32
        %swap3A_674 = arith.index_cast %swap3A_673 : i32 to index
        %swap3A_675 = arith.index_cast %add3A_672 : i32 to index
        %swap3A_676 = arith.constant 48 : index
        %swap3A_677 = tpu.vector_load %arg7[%swap3A_674, %swap3A_675, %swap3A_676] {strides = array<i32>} : memref<2x800x64xf32, #tpu.memory_space<vmem>>, vector<1x1x16xf32>,
        %swap3A_678 = vector.shape_cast %swap3A_677 : vector<1x1x16xf32> to vector<16xf32>
        %swap3A_679 = vector.shape_cast %get3A_643 : vector<16xf32> to vector<1x1x16xf32>
        tpu.vector_store %arg7[%swap3A_674, %swap3A_675, %swap3A_676], %swap3A_679 {add = true, strides = array<i32>} : memref<2x800x64xf32, #tpu.memory_space<vmem>>, vector<1x1x16xf32>,
      }
      %scan3A_366 = arith.constant 200 : i32
      %mul3A_367 = arith.constant 32 : i32
      %mul3A_368 = arith.muli %add3A, %mul3A_367 : i32
      %add3A_369 = arith.addi %mul3A_368, %mul3A_144 : i32
      %mul3A_370 = arith.constant 800 : i32
      %mul3A_371 = arith.muli %add3A_369, %mul3A_370 : i32
      %dma_start3A_372 = arith.constant 0 : i32
      %dma_start3A_373 = arith.constant 0 : i32
      %dma_start3A_374 = arith.constant 0 : i32
      %dma_start3A_375 = tpu.memref_slice %arg7[%dma_start3A_372, %dma_start3A_373, %dma_start3A_374] : memref<2x800x64xf32, #tpu.memory_space<vmem>> -> memref<1x800x64xf32, #tpu.memory_space<vmem>>
      %dma_start3A_376 = tpu.memref_squeeze %dma_start3A_375 : memref<1x800x64xf32, #tpu.memory_space<vmem>> -> memref<800x64xf32, #tpu.memory_space<vmem>>
      %dma_start3A_377 = arith.constant 0 : i32
      %dma_start3A_378 = tpu.memref_slice %arg5[%mul3A_371, %dma_start3A_377] : memref<819200x64xf32, #tpu.memory_space<hbm>> -> memref<800x64xf32, #tpu.memory_space<hbm>>
      %dma_start3A_379 = arith.constant 0 : i32
      %dma_start3A_380 = tpu.memref_slice %arg5[%mul3A_371, %dma_start3A_379] : memref<819200x64xf32, #tpu.memory_space<hbm>> -> memref<800x64xf32, #tpu.memory_space<hbm>>
      %dma_start3A_381 = arith.constant 0 : i32
      %dma_start3A_382 = arith.constant 0 : i32
      %dma_start3A_383 = tpu.memref_slice %arg7[%dma_start3A_372, %dma_start3A_381, %dma_start3A_382] : memref<2x800x64xf32, #tpu.memory_space<vmem>> -> memref<1x800x64xf32, #tpu.memory_space<vmem>>
      %dma_start3A_384 = tpu.memref_squeeze %dma_start3A_383 : memref<1x800x64xf32, #tpu.memory_space<vmem>> -> memref<800x64xf32, #tpu.memory_space<vmem>>
      tpu.enqueue_dma source(%dma_start3A_384 : memref<800x64xf32, #tpu.memory_space<vmem>>) target(%dma_start3A_380 : memref<800x64xf32, #tpu.memory_space<hbm>>) target_semaphore(%arg11 : memref<!tpu.dma_semaphore, #tpu.memory_space<semaphore_mem>>)
      %add3A_385 = arith.constant 2 : i32
      %add3A_386 = arith.addi %mul3A_144, %add3A_385 : i32
      %lt3A = arith.constant 32 : i32
      %lt3A_387 = arith.cmpi slt, %add3A_386, %lt3A : i32
      %convert_element_type3A_388 = arith.extui %lt3A_387 : i1 to i32
      %cond3A_389 = arith.constant 0 : i32
      %cond3A_390 = arith.cmpi ne, %convert_element_type3A_388, %cond3A_389 : i32
      scf.if %cond3A_390 {
        %dma_wait3A_521 = arith.constant 0 : i32
        %dma_wait3A_522 = arith.constant 0 : i32
        %dma_wait3A_523 = arith.constant 0 : i32
        %dma_wait3A_524 = tpu.memref_slice %arg7[%dma_wait3A_521, %dma_wait3A_522, %dma_wait3A_523] : memref<2x800x64xf32, #tpu.memory_space<vmem>> -> memref<1x800x64xf32, #tpu.memory_space<vmem>>
        %dma_wait3A_525 = tpu.memref_squeeze %dma_wait3A_524 : memref<1x800x64xf32, #tpu.memory_space<vmem>> -> memref<800x64xf32, #tpu.memory_space<vmem>>
        %dma_wait3A_526 = arith.constant 0 : i32
        %dma_wait3A_527 = arith.constant 0 : i32
        %dma_wait3A_528 = tpu.memref_slice %arg5[%dma_wait3A_526, %dma_wait3A_527] : memref<819200x64xf32, #tpu.memory_space<hbm>> -> memref<800x64xf32, #tpu.memory_space<hbm>>
        %dma_wait3A_529 = arith.constant 0 : i32
        %dma_wait3A_530 = arith.constant 0 : i32
        %dma_wait3A_531 = tpu.memref_slice %arg5[%dma_wait3A_529, %dma_wait3A_530] : memref<819200x64xf32, #tpu.memory_space<hbm>> -> memref<800x64xf32, #tpu.memory_space<hbm>>
        %dma_wait3A_532 = arith.constant 0 : i32
        %dma_wait3A_533 = arith.constant 0 : i32
        %dma_wait3A_534 = tpu.memref_slice %arg7[%dma_wait3A_521, %dma_wait3A_532, %dma_wait3A_533] : memref<2x800x64xf32, #tpu.memory_space<vmem>> -> memref<1x800x64xf32, #tpu.memory_space<vmem>>
        %dma_wait3A_535 = tpu.memref_squeeze %dma_wait3A_534 : memref<1x800x64xf32, #tpu.memory_space<vmem>> -> memref<800x64xf32, #tpu.memory_space<vmem>>
        tpu.wait_dma2 semaphore(%arg11 : memref<!tpu.dma_semaphore, #tpu.memory_space<semaphore_mem>>) src(%dma_wait3A_535 : memref<800x64xf32, #tpu.memory_space<vmem>>) dst(%dma_wait3A_531 : memref<800x64xf32, #tpu.memory_space<hbm>>)
        %add3A_536 = arith.constant 2 : i32
        %add3A_537 = arith.addi %mul3A_144, %add3A_536 : i32
        %mul3A_538 = arith.constant 32 : i32
        %mul3A_539 = arith.muli %add3A, %mul3A_538 : i32
        %add3A_540 = arith.addi %mul3A_539, %add3A_537 : i32
        %run_scoped3A_541 = arith.constant 0 : i32
        "tpu.region"() ({
          %run_scoped3A_646 = tpu.sem_alloc : memref<!tpu.dma_semaphore, #tpu.memory_space<semaphore_mem>>
          %dma_start3A_647 = arith.constant 0 : i32
          %dma_start3A_648 = arith.constant 0 : i32
          %dma_start3A_649 = tpu.memref_slice %arg6[%run_scoped3A_541, %dma_start3A_647, %dma_start3A_648] : memref<2x8x100xi32, #tpu.memory_space<vmem>> -> memref<1x8x100xi32, #tpu.memory_space<vmem>>
          %dma_start3A_650 = tpu.memref_squeeze %dma_start3A_649 : memref<1x8x100xi32, #tpu.memory_space<vmem>> -> memref<8x100xi32, #tpu.memory_space<vmem>>
          %dma_start3A_651 = arith.constant 0 : i32
          %dma_start3A_652 = arith.constant 0 : i32
          %dma_start3A_653 = tpu.memref_slice %arg2[%add3A_540, %dma_start3A_651, %dma_start3A_652] : memref<1024x8x100xi32, #tpu.memory_space<hbm>> -> memref<1x8x100xi32, #tpu.memory_space<hbm>>
          %dma_start3A_654 = tpu.memref_squeeze %dma_start3A_653 : memref<1x8x100xi32, #tpu.memory_space<hbm>> -> memref<8x100xi32, #tpu.memory_space<hbm>>
          %dma_start3A_655 = arith.constant 0 : i32
          %dma_start3A_656 = arith.constant 0 : i32
          %dma_start3A_657 = tpu.memref_slice %arg6[%run_scoped3A_541, %dma_start3A_655, %dma_start3A_656] : memref<2x8x100xi32, #tpu.memory_space<vmem>> -> memref<1x8x100xi32, #tpu.memory_space<vmem>>
          %dma_start3A_658 = tpu.memref_squeeze %dma_start3A_657 : memref<1x8x100xi32, #tpu.memory_space<vmem>> -> memref<8x100xi32, #tpu.memory_space<vmem>>
          %dma_start3A_659 = arith.constant 0 : i32
          %dma_start3A_660 = arith.constant 0 : i32
          %dma_start3A_661 = tpu.memref_slice %arg2[%add3A_540, %dma_start3A_659, %dma_start3A_660] : memref<1024x8x100xi32, #tpu.memory_space<hbm>> -> memref<1x8x100xi32, #tpu.memory_space<hbm>>
          %dma_start3A_662 = tpu.memref_squeeze %dma_start3A_661 : memref<1x8x100xi32, #tpu.memory_space<hbm>> -> memref<8x100xi32, #tpu.memory_space<hbm>>
          tpu.enqueue_dma source(%dma_start3A_662 : memref<8x100xi32, #tpu.memory_space<hbm>>) target(%dma_start3A_658 : memref<8x100xi32, #tpu.memory_space<vmem>>) target_semaphore(%run_scoped3A_646 : memref<!tpu.dma_semaphore, #tpu.memory_space<semaphore_mem>>)
          %dma_wait3A_663 = arith.constant 0 : i32
          %dma_wait3A_664 = arith.constant 0 : i32
          %dma_wait3A_665 = tpu.memref_slice %arg6[%run_scoped3A_541, %dma_wait3A_663, %dma_wait3A_664] : memref<2x8x100xi32, #tpu.memory_space<vmem>> -> memref<1x8x100xi32, #tpu.memory_space<vmem>>
          %dma_wait3A_666 = tpu.memref_squeeze %dma_wait3A_665 : memref<1x8x100xi32, #tpu.memory_space<vmem>> -> memref<8x100xi32, #tpu.memory_space<vmem>>
          %dma_wait3A_667 = arith.constant 0 : i32
          %dma_wait3A_668 = arith.constant 0 : i32
          %dma_wait3A_669 = tpu.memref_slice %arg2[%add3A_540, %dma_wait3A_667, %dma_wait3A_668] : memref<1024x8x100xi32, #tpu.memory_space<hbm>> -> memref<1x8x100xi32, #tpu.memory_space<hbm>>
          %dma_wait3A_670 = tpu.memref_squeeze %dma_wait3A_669 : memref<1x8x100xi32, #tpu.memory_space<hbm>> -> memref<8x100xi32, #tpu.memory_space<hbm>>
          %dma_wait3A_671 = arith.constant 0 : i32
          %dma_wait3A_672 = arith.constant 0 : i32
          %dma_wait3A_673 = tpu.memref_slice %arg6[%run_scoped3A_541, %dma_wait3A_671, %dma_wait3A_672] : memref<2x8x100xi32, #tpu.memory_space<vmem>> -> memref<1x8x100xi32, #tpu.memory_space<vmem>>
          %dma_wait3A_674 = tpu.memref_squeeze %dma_wait3A_673 : memref<1x8x100xi32, #tpu.memory_space<vmem>> -> memref<8x100xi32, #tpu.memory_space<vmem>>
          %dma_wait3A_675 = arith.constant 0 : i32
          %dma_wait3A_676 = arith.constant 0 : i32
          %dma_wait3A_677 = tpu.memref_slice %arg2[%add3A_540, %dma_wait3A_675, %dma_wait3A_676] : memref<1024x8x100xi32, #tpu.memory_space<hbm>> -> memref<1x8x100xi32, #tpu.memory_space<hbm>>
          %dma_wait3A_678 = tpu.memref_squeeze %dma_wait3A_677 : memref<1x8x100xi32, #tpu.memory_space<hbm>> -> memref<8x100xi32, #tpu.memory_space<hbm>>
          tpu.wait_dma2 semaphore(%run_scoped3A_646 : memref<!tpu.dma_semaphore, #tpu.memory_space<semaphore_mem>>) src(%dma_wait3A_678 : memref<8x100xi32, #tpu.memory_space<hbm>>) dst(%dma_wait3A_674 : memref<8x100xi32, #tpu.memory_space<vmem>>)
          tpu.yield
        }) : () -> ()
        %dma_start3A_542 = arith.constant 0 : i32
        %dma_start3A_543 = arith.constant 0 : i32
        %dma_start3A_544 = arith.constant 0 : i32
        %dma_start3A_545 = arith.constant 0 : i32
        %dma_start3A_546 = arith.constant 0 : i32
        %dma_start3A_547 = tpu.memref_slice %arg7[%dma_start3A_544, %dma_start3A_545, %dma_start3A_546] : memref<2x800x64xf32, #tpu.memory_space<vmem>> -> memref<1x100x64xf32, #tpu.memory_space<vmem>>
        %dma_start3A_548 = tpu.memref_squeeze %dma_start3A_547 : memref<1x100x64xf32, #tpu.memory_space<vmem>> -> memref<100x64xf32, #tpu.memory_space<vmem>>
        %dma_start3A_549 = arith.constant 0 : i32
        %dma_start3A_550 = tpu.memref_slice %arg6[%dma_start3A_542, %dma_start3A_543, %dma_start3A_549] : memref<2x8x100xi32, #tpu.memory_space<vmem>> -> memref<1x1x100xi32, #tpu.memory_space<vmem>>
        %dma_start3A_551 = tpu.memref_squeeze %dma_start3A_550 : memref<1x1x100xi32, #tpu.memory_space<vmem>> -> memref<100xi32, #tpu.memory_space<vmem>>
        %dma_start3A_552 = arith.constant 0 : i32
        %dma_start3A_553 = arith.constant 0 : i32
        %dma_start3A_554 = tpu.memref_slice %arg3[%dma_start3A_552, %dma_start3A_553] : memref<1000000x64xf32, #tpu.memory_space<hbm>> -> memref<1000000x64xf32, #tpu.memory_space<hbm>>
        tpu.enqueue_indirect_dma source(%dma_start3A_554 : memref<1000000x64xf32, #tpu.memory_space<hbm>>) target(%dma_start3A_548 : memref<100x64xf32, #tpu.memory_space<vmem>>) offsets(%dma_start3A_551 : memref<100xi32, #tpu.memory_space<vmem>>) semaphore(%arg9 : memref<!tpu.dma_semaphore, #tpu.memory_space<semaphore_mem>>)
        %dma_start3A_555 = arith.constant 0 : i32
        %dma_start3A_556 = arith.constant 1 : i32
        %dma_start3A_557 = arith.constant 0 : i32
        %dma_start3A_558 = arith.constant 100 : i32
        %dma_start3A_559 = arith.constant 0 : i32
        %dma_start3A_560 = tpu.memref_slice %arg7[%dma_start3A_557, %dma_start3A_558, %dma_start3A_559] : memref<2x800x64xf32, #tpu.memory_space<vmem>> -> memref<1x100x64xf32, #tpu.memory_space<vmem>>
        %dma_start3A_561 = tpu.memref_squeeze %dma_start3A_560 : memref<1x100x64xf32, #tpu.memory_space<vmem>> -> memref<100x64xf32, #tpu.memory_space<vmem>>
        %dma_start3A_562 = arith.constant 0 : i32
        %dma_start3A_563 = tpu.memref_slice %arg6[%dma_start3A_555, %dma_start3A_556, %dma_start3A_562] : memref<2x8x100xi32, #tpu.memory_space<vmem>> -> memref<1x1x100xi32, #tpu.memory_space<vmem>>
        %dma_start3A_564 = tpu.memref_squeeze %dma_start3A_563 : memref<1x1x100xi32, #tpu.memory_space<vmem>> -> memref<100xi32, #tpu.memory_space<vmem>>
        %dma_start3A_565 = arith.constant 0 : i32
        %dma_start3A_566 = arith.constant 0 : i32
        %dma_start3A_567 = tpu.memref_slice %arg3[%dma_start3A_565, %dma_start3A_566] : memref<1000000x64xf32, #tpu.memory_space<hbm>> -> memref<1000000x64xf32, #tpu.memory_space<hbm>>
        tpu.enqueue_indirect_dma source(%dma_start3A_567 : memref<1000000x64xf32, #tpu.memory_space<hbm>>) target(%dma_start3A_561 : memref<100x64xf32, #tpu.memory_space<vmem>>) offsets(%dma_start3A_564 : memref<100xi32, #tpu.memory_space<vmem>>) semaphore(%arg9 : memref<!tpu.dma_semaphore, #tpu.memory_space<semaphore_mem>>)
        %dma_start3A_568 = arith.constant 0 : i32
        %dma_start3A_569 = arith.constant 2 : i32
        %dma_start3A_570 = arith.constant 0 : i32
        %dma_start3A_571 = arith.constant 200 : i32
        %dma_start3A_572 = arith.constant 0 : i32
        %dma_start3A_573 = tpu.memref_slice %arg7[%dma_start3A_570, %dma_start3A_571, %dma_start3A_572] : memref<2x800x64xf32, #tpu.memory_space<vmem>> -> memref<1x100x64xf32, #tpu.memory_space<vmem>>
        %dma_start3A_574 = tpu.memref_squeeze %dma_start3A_573 : memref<1x100x64xf32, #tpu.memory_space<vmem>> -> memref<100x64xf32, #tpu.memory_space<vmem>>
        %dma_start3A_575 = arith.constant 0 : i32
        %dma_start3A_576 = tpu.memref_slice %arg6[%dma_start3A_568, %dma_start3A_569, %dma_start3A_575] : memref<2x8x100xi32, #tpu.memory_space<vmem>> -> memref<1x1x100xi32, #tpu.memory_space<vmem>>
        %dma_start3A_577 = tpu.memref_squeeze %dma_start3A_576 : memref<1x1x100xi32, #tpu.memory_space<vmem>> -> memref<100xi32, #tpu.memory_space<vmem>>
        %dma_start3A_578 = arith.constant 0 : i32
        %dma_start3A_579 = arith.constant 0 : i32
        %dma_start3A_580 = tpu.memref_slice %arg3[%dma_start3A_578, %dma_start3A_579] : memref<1000000x64xf32, #tpu.memory_space<hbm>> -> memref<1000000x64xf32, #tpu.memory_space<hbm>>
        tpu.enqueue_indirect_dma source(%dma_start3A_580 : memref<1000000x64xf32, #tpu.memory_space<hbm>>) target(%dma_start3A_574 : memref<100x64xf32, #tpu.memory_space<vmem>>) offsets(%dma_start3A_577 : memref<100xi32, #tpu.memory_space<vmem>>) semaphore(%arg9 : memref<!tpu.dma_semaphore, #tpu.memory_space<semaphore_mem>>)
        %dma_start3A_581 = arith.constant 0 : i32
        %dma_start3A_582 = arith.constant 3 : i32
        %dma_start3A_583 = arith.constant 0 : i32
        %dma_start3A_584 = arith.constant 300 : i32
        %dma_start3A_585 = arith.constant 0 : i32
        %dma_start3A_586 = tpu.memref_slice %arg7[%dma_start3A_583, %dma_start3A_584, %dma_start3A_585] : memref<2x800x64xf32, #tpu.memory_space<vmem>> -> memref<1x100x64xf32, #tpu.memory_space<vmem>>
        %dma_start3A_587 = tpu.memref_squeeze %dma_start3A_586 : memref<1x100x64xf32, #tpu.memory_space<vmem>> -> memref<100x64xf32, #tpu.memory_space<vmem>>
        %dma_start3A_588 = arith.constant 0 : i32
        %dma_start3A_589 = tpu.memref_slice %arg6[%dma_start3A_581, %dma_start3A_582, %dma_start3A_588] : memref<2x8x100xi32, #tpu.memory_space<vmem>> -> memref<1x1x100xi32, #tpu.memory_space<vmem>>
        %dma_start3A_590 = tpu.memref_squeeze %dma_start3A_589 : memref<1x1x100xi32, #tpu.memory_space<vmem>> -> memref<100xi32, #tpu.memory_space<vmem>>
        %dma_start3A_591 = arith.constant 0 : i32
        %dma_start3A_592 = arith.constant 0 : i32
        %dma_start3A_593 = tpu.memref_slice %arg3[%dma_start3A_591, %dma_start3A_592] : memref<1000000x64xf32, #tpu.memory_space<hbm>> -> memref<1000000x64xf32, #tpu.memory_space<hbm>>
        tpu.enqueue_indirect_dma source(%dma_start3A_593 : memref<1000000x64xf32, #tpu.memory_space<hbm>>) target(%dma_start3A_587 : memref<100x64xf32, #tpu.memory_space<vmem>>) offsets(%dma_start3A_590 : memref<100xi32, #tpu.memory_space<vmem>>) semaphore(%arg9 : memref<!tpu.dma_semaphore, #tpu.memory_space<semaphore_mem>>)
        %dma_start3A_594 = arith.constant 0 : i32
        %dma_start3A_595 = arith.constant 4 : i32
        %dma_start3A_596 = arith.constant 0 : i32
        %dma_start3A_597 = arith.constant 400 : i32
        %dma_start3A_598 = arith.constant 0 : i32
        %dma_start3A_599 = tpu.memref_slice %arg7[%dma_start3A_596, %dma_start3A_597, %dma_start3A_598] : memref<2x800x64xf32, #tpu.memory_space<vmem>> -> memref<1x100x64xf32, #tpu.memory_space<vmem>>
        %dma_start3A_600 = tpu.memref_squeeze %dma_start3A_599 : memref<1x100x64xf32, #tpu.memory_space<vmem>> -> memref<100x64xf32, #tpu.memory_space<vmem>>
        %dma_start3A_601 = arith.constant 0 : i32
        %dma_start3A_602 = tpu.memref_slice %arg6[%dma_start3A_594, %dma_start3A_595, %dma_start3A_601] : memref<2x8x100xi32, #tpu.memory_space<vmem>> -> memref<1x1x100xi32, #tpu.memory_space<vmem>>
        %dma_start3A_603 = tpu.memref_squeeze %dma_start3A_602 : memref<1x1x100xi32, #tpu.memory_space<vmem>> -> memref<100xi32, #tpu.memory_space<vmem>>
        %dma_start3A_604 = arith.constant 0 : i32
        %dma_start3A_605 = arith.constant 0 : i32
        %dma_start3A_606 = tpu.memref_slice %arg3[%dma_start3A_604, %dma_start3A_605] : memref<1000000x64xf32, #tpu.memory_space<hbm>> -> memref<1000000x64xf32, #tpu.memory_space<hbm>>
        tpu.enqueue_indirect_dma source(%dma_start3A_606 : memref<1000000x64xf32, #tpu.memory_space<hbm>>) target(%dma_start3A_600 : memref<100x64xf32, #tpu.memory_space<vmem>>) offsets(%dma_start3A_603 : memref<100xi32, #tpu.memory_space<vmem>>) semaphore(%arg9 : memref<!tpu.dma_semaphore, #tpu.memory_space<semaphore_mem>>)
        %dma_start3A_607 = arith.constant 0 : i32
        %dma_start3A_608 = arith.constant 5 : i32
        %dma_start3A_609 = arith.constant 0 : i32
        %dma_start3A_610 = arith.constant 500 : i32
        %dma_start3A_611 = arith.constant 0 : i32
        %dma_start3A_612 = tpu.memref_slice %arg7[%dma_start3A_609, %dma_start3A_610, %dma_start3A_611] : memref<2x800x64xf32, #tpu.memory_space<vmem>> -> memref<1x100x64xf32, #tpu.memory_space<vmem>>
        %dma_start3A_613 = tpu.memref_squeeze %dma_start3A_612 : memref<1x100x64xf32, #tpu.memory_space<vmem>> -> memref<100x64xf32, #tpu.memory_space<vmem>>
        %dma_start3A_614 = arith.constant 0 : i32
        %dma_start3A_615 = tpu.memref_slice %arg6[%dma_start3A_607, %dma_start3A_608, %dma_start3A_614] : memref<2x8x100xi32, #tpu.memory_space<vmem>> -> memref<1x1x100xi32, #tpu.memory_space<vmem>>
        %dma_start3A_616 = tpu.memref_squeeze %dma_start3A_615 : memref<1x1x100xi32, #tpu.memory_space<vmem>> -> memref<100xi32, #tpu.memory_space<vmem>>
        %dma_start3A_617 = arith.constant 0 : i32
        %dma_start3A_618 = arith.constant 0 : i32
        %dma_start3A_619 = tpu.memref_slice %arg3[%dma_start3A_617, %dma_start3A_618] : memref<1000000x64xf32, #tpu.memory_space<hbm>> -> memref<1000000x64xf32, #tpu.memory_space<hbm>>
        tpu.enqueue_indirect_dma source(%dma_start3A_619 : memref<1000000x64xf32, #tpu.memory_space<hbm>>) target(%dma_start3A_613 : memref<100x64xf32, #tpu.memory_space<vmem>>) offsets(%dma_start3A_616 : memref<100xi32, #tpu.memory_space<vmem>>) semaphore(%arg9 : memref<!tpu.dma_semaphore, #tpu.memory_space<semaphore_mem>>)
        %dma_start3A_620 = arith.constant 0 : i32
        %dma_start3A_621 = arith.constant 6 : i32
        %dma_start3A_622 = arith.constant 0 : i32
        %dma_start3A_623 = arith.constant 600 : i32
        %dma_start3A_624 = arith.constant 0 : i32
        %dma_start3A_625 = tpu.memref_slice %arg7[%dma_start3A_622, %dma_start3A_623, %dma_start3A_624] : memref<2x800x64xf32, #tpu.memory_space<vmem>> -> memref<1x100x64xf32, #tpu.memory_space<vmem>>
        %dma_start3A_626 = tpu.memref_squeeze %dma_start3A_625 : memref<1x100x64xf32, #tpu.memory_space<vmem>> -> memref<100x64xf32, #tpu.memory_space<vmem>>
        %dma_start3A_627 = arith.constant 0 : i32
        %dma_start3A_628 = tpu.memref_slice %arg6[%dma_start3A_620, %dma_start3A_621, %dma_start3A_627] : memref<2x8x100xi32, #tpu.memory_space<vmem>> -> memref<1x1x100xi32, #tpu.memory_space<vmem>>
        %dma_start3A_629 = tpu.memref_squeeze %dma_start3A_628 : memref<1x1x100xi32, #tpu.memory_space<vmem>> -> memref<100xi32, #tpu.memory_space<vmem>>
        %dma_start3A_630 = arith.constant 0 : i32
        %dma_start3A_631 = arith.constant 0 : i32
        %dma_start3A_632 = tpu.memref_slice %arg3[%dma_start3A_630, %dma_start3A_631] : memref<1000000x64xf32, #tpu.memory_space<hbm>> -> memref<1000000x64xf32, #tpu.memory_space<hbm>>
        tpu.enqueue_indirect_dma source(%dma_start3A_632 : memref<1000000x64xf32, #tpu.memory_space<hbm>>) target(%dma_start3A_626 : memref<100x64xf32, #tpu.memory_space<vmem>>) offsets(%dma_start3A_629 : memref<100xi32, #tpu.memory_space<vmem>>) semaphore(%arg9 : memref<!tpu.dma_semaphore, #tpu.memory_space<semaphore_mem>>)
        %dma_start3A_633 = arith.constant 0 : i32
        %dma_start3A_634 = arith.constant 7 : i32
        %dma_start3A_635 = arith.constant 0 : i32
        %dma_start3A_636 = arith.constant 700 : i32
        %dma_start3A_637 = arith.constant 0 : i32
        %dma_start3A_638 = tpu.memref_slice %arg7[%dma_start3A_635, %dma_start3A_636, %dma_start3A_637] : memref<2x800x64xf32, #tpu.memory_space<vmem>> -> memref<1x100x64xf32, #tpu.memory_space<vmem>>
        %dma_start3A_639 = tpu.memref_squeeze %dma_start3A_638 : memref<1x100x64xf32, #tpu.memory_space<vmem>> -> memref<100x64xf32, #tpu.memory_space<vmem>>
        %dma_start3A_640 = arith.constant 0 : i32
        %dma_start3A_641 = tpu.memref_slice %arg6[%dma_start3A_633, %dma_start3A_634, %dma_start3A_640] : memref<2x8x100xi32, #tpu.memory_space<vmem>> -> memref<1x1x100xi32, #tpu.memory_space<vmem>>
        %dma_start3A_642 = tpu.memref_squeeze %dma_start3A_641 : memref<1x1x100xi32, #tpu.memory_space<vmem>> -> memref<100xi32, #tpu.memory_space<vmem>>
        %dma_start3A_643 = arith.constant 0 : i32
        %dma_start3A_644 = arith.constant 0 : i32
        %dma_start3A_645 = tpu.memref_slice %arg3[%dma_start3A_643, %dma_start3A_644] : memref<1000000x64xf32, #tpu.memory_space<hbm>> -> memref<1000000x64xf32, #tpu.memory_space<hbm>>
        tpu.enqueue_indirect_dma source(%dma_start3A_645 : memref<1000000x64xf32, #tpu.memory_space<hbm>>) target(%dma_start3A_639 : memref<100x64xf32, #tpu.memory_space<vmem>>) offsets(%dma_start3A_642 : memref<100xi32, #tpu.memory_space<vmem>>) semaphore(%arg9 : memref<!tpu.dma_semaphore, #tpu.memory_space<semaphore_mem>>)
      } else {
      }
      %dma_wait3A_391 = arith.constant 1 : i32
      %dma_wait3A_392 = arith.constant 0 : i32
      %dma_wait3A_393 = arith.constant 1 : i32
      %dma_wait3A_394 = arith.constant 0 : i32
      %dma_wait3A_395 = arith.constant 0 : i32
      %dma_wait3A_396 = tpu.memref_slice %arg7[%dma_wait3A_393, %dma_wait3A_394, %dma_wait3A_395] : memref<2x800x64xf32, #tpu.memory_space<vmem>> -> memref<1x100x64xf32, #tpu.memory_space<vmem>>
      %dma_wait3A_397 = tpu.memref_squeeze %dma_wait3A_396 : memref<1x100x64xf32, #tpu.memory_space<vmem>> -> memref<100x64xf32, #tpu.memory_space<vmem>>
      %dma_wait3A_398 = arith.constant 0 : i32
      %dma_wait3A_399 = tpu.memref_slice %arg6[%dma_wait3A_391, %dma_wait3A_392, %dma_wait3A_398] : memref<2x8x100xi32, #tpu.memory_space<vmem>> -> memref<1x1x100xi32, #tpu.memory_space<vmem>>
      %dma_wait3A_400 = tpu.memref_squeeze %dma_wait3A_399 : memref<1x1x100xi32, #tpu.memory_space<vmem>> -> memref<100xi32, #tpu.memory_space<vmem>>
      %dma_wait3A_401 = arith.constant 0 : i32
      %dma_wait3A_402 = arith.constant 0 : i32
      %dma_wait3A_403 = tpu.memref_slice %arg3[%dma_wait3A_401, %dma_wait3A_402] : memref<1000000x64xf32, #tpu.memory_space<hbm>> -> memref<1000000x64xf32, #tpu.memory_space<hbm>>
      tpu.wait_indirect_dma semaphore(%arg10 : memref<!tpu.dma_semaphore, #tpu.memory_space<semaphore_mem>>) src(%dma_wait3A_403 : memref<1000000x64xf32, #tpu.memory_space<hbm>>) dst(%dma_wait3A_397 : memref<100x64xf32, #tpu.memory_space<vmem>>)
      %dma_wait3A_404 = arith.constant 1 : i32
      %dma_wait3A_405 = arith.constant 1 : i32
      %dma_wait3A_406 = arith.constant 1 : i32
      %dma_wait3A_407 = arith.constant 100 : i32
      %dma_wait3A_408 = arith.constant 0 : i32
      %dma_wait3A_409 = tpu.memref_slice %arg7[%dma_wait3A_406, %dma_wait3A_407, %dma_wait3A_408] : memref<2x800x64xf32, #tpu.memory_space<vmem>> -> memref<1x100x64xf32, #tpu.memory_space<vmem>>
      %dma_wait3A_410 = tpu.memref_squeeze %dma_wait3A_409 : memref<1x100x64xf32, #tpu.memory_space<vmem>> -> memref<100x64xf32, #tpu.memory_space<vmem>>
      %dma_wait3A_411 = arith.constant 0 : i32
      %dma_wait3A_412 = tpu.memref_slice %arg6[%dma_wait3A_404, %dma_wait3A_405, %dma_wait3A_411] : memref<2x8x100xi32, #tpu.memory_space<vmem>> -> memref<1x1x100xi32, #tpu.memory_space<vmem>>
      %dma_wait3A_413 = tpu.memref_squeeze %dma_wait3A_412 : memref<1x1x100xi32, #tpu.memory_space<vmem>> -> memref<100xi32, #tpu.memory_space<vmem>>
      %dma_wait3A_414 = arith.constant 0 : i32
      %dma_wait3A_415 = arith.constant 0 : i32
      %dma_wait3A_416 = tpu.memref_slice %arg3[%dma_wait3A_414, %dma_wait3A_415] : memref<1000000x64xf32, #tpu.memory_space<hbm>> -> memref<1000000x64xf32, #tpu.memory_space<hbm>>
      tpu.wait_indirect_dma semaphore(%arg10 : memref<!tpu.dma_semaphore, #tpu.memory_space<semaphore_mem>>) src(%dma_wait3A_416 : memref<1000000x64xf32, #tpu.memory_space<hbm>>) dst(%dma_wait3A_410 : memref<100x64xf32, #tpu.memory_space<vmem>>)
      %dma_wait3A_417 = arith.constant 1 : i32
      %dma_wait3A_418 = arith.constant 2 : i32
      %dma_wait3A_419 = arith.constant 1 : i32
      %dma_wait3A_420 = arith.constant 200 : i32
      %dma_wait3A_421 = arith.constant 0 : i32
      %dma_wait3A_422 = tpu.memref_slice %arg7[%dma_wait3A_419, %dma_wait3A_420, %dma_wait3A_421] : memref<2x800x64xf32, #tpu.memory_space<vmem>> -> memref<1x100x64xf32, #tpu.memory_space<vmem>>
      %dma_wait3A_423 = tpu.memref_squeeze %dma_wait3A_422 : memref<1x100x64xf32, #tpu.memory_space<vmem>> -> memref<100x64xf32, #tpu.memory_space<vmem>>
      %dma_wait3A_424 = arith.constant 0 : i32
      %dma_wait3A_425 = tpu.memref_slice %arg6[%dma_wait3A_417, %dma_wait3A_418, %dma_wait3A_424] : memref<2x8x100xi32, #tpu.memory_space<vmem>> -> memref<1x1x100xi32, #tpu.memory_space<vmem>>
      %dma_wait3A_426 = tpu.memref_squeeze %dma_wait3A_425 : memref<1x1x100xi32, #tpu.memory_space<vmem>> -> memref<100xi32, #tpu.memory_space<vmem>>
      %dma_wait3A_427 = arith.constant 0 : i32
      %dma_wait3A_428 = arith.constant 0 : i32
      %dma_wait3A_429 = tpu.memref_slice %arg3[%dma_wait3A_427, %dma_wait3A_428] : memref<1000000x64xf32, #tpu.memory_space<hbm>> -> memref<1000000x64xf32, #tpu.memory_space<hbm>>
      tpu.wait_indirect_dma semaphore(%arg10 : memref<!tpu.dma_semaphore, #tpu.memory_space<semaphore_mem>>) src(%dma_wait3A_429 : memref<1000000x64xf32, #tpu.memory_space<hbm>>) dst(%dma_wait3A_423 : memref<100x64xf32, #tpu.memory_space<vmem>>)
      %dma_wait3A_430 = arith.constant 1 : i32
      %dma_wait3A_431 = arith.constant 3 : i32
      %dma_wait3A_432 = arith.constant 1 : i32
      %dma_wait3A_433 = arith.constant 300 : i32
      %dma_wait3A_434 = arith.constant 0 : i32
      %dma_wait3A_435 = tpu.memref_slice %arg7[%dma_wait3A_432, %dma_wait3A_433, %dma_wait3A_434] : memref<2x800x64xf32, #tpu.memory_space<vmem>> -> memref<1x100x64xf32, #tpu.memory_space<vmem>>
      %dma_wait3A_436 = tpu.memref_squeeze %dma_wait3A_435 : memref<1x100x64xf32, #tpu.memory_space<vmem>> -> memref<100x64xf32, #tpu.memory_space<vmem>>
      %dma_wait3A_437 = arith.constant 0 : i32
      %dma_wait3A_438 = tpu.memref_slice %arg6[%dma_wait3A_430, %dma_wait3A_431, %dma_wait3A_437] : memref<2x8x100xi32, #tpu.memory_space<vmem>> -> memref<1x1x100xi32, #tpu.memory_space<vmem>>
      %dma_wait3A_439 = tpu.memref_squeeze %dma_wait3A_438 : memref<1x1x100xi32, #tpu.memory_space<vmem>> -> memref<100xi32, #tpu.memory_space<vmem>>
      %dma_wait3A_440 = arith.constant 0 : i32
      %dma_wait3A_441 = arith.constant 0 : i32
      %dma_wait3A_442 = tpu.memref_slice %arg3[%dma_wait3A_440, %dma_wait3A_441] : memref<1000000x64xf32, #tpu.memory_space<hbm>> -> memref<1000000x64xf32, #tpu.memory_space<hbm>>
      tpu.wait_indirect_dma semaphore(%arg10 : memref<!tpu.dma_semaphore, #tpu.memory_space<semaphore_mem>>) src(%dma_wait3A_442 : memref<1000000x64xf32, #tpu.memory_space<hbm>>) dst(%dma_wait3A_436 : memref<100x64xf32, #tpu.memory_space<vmem>>)
      %dma_wait3A_443 = arith.constant 1 : i32
      %dma_wait3A_444 = arith.constant 4 : i32
      %dma_wait3A_445 = arith.constant 1 : i32
      %dma_wait3A_446 = arith.constant 400 : i32
      %dma_wait3A_447 = arith.constant 0 : i32
      %dma_wait3A_448 = tpu.memref_slice %arg7[%dma_wait3A_445, %dma_wait3A_446, %dma_wait3A_447] : memref<2x800x64xf32, #tpu.memory_space<vmem>> -> memref<1x100x64xf32, #tpu.memory_space<vmem>>
      %dma_wait3A_449 = tpu.memref_squeeze %dma_wait3A_448 : memref<1x100x64xf32, #tpu.memory_space<vmem>> -> memref<100x64xf32, #tpu.memory_space<vmem>>
      %dma_wait3A_450 = arith.constant 0 : i32
      %dma_wait3A_451 = tpu.memref_slice %arg6[%dma_wait3A_443, %dma_wait3A_444, %dma_wait3A_450] : memref<2x8x100xi32, #tpu.memory_space<vmem>> -> memref<1x1x100xi32, #tpu.memory_space<vmem>>
      %dma_wait3A_452 = tpu.memref_squeeze %dma_wait3A_451 : memref<1x1x100xi32, #tpu.memory_space<vmem>> -> memref<100xi32, #tpu.memory_space<vmem>>
      %dma_wait3A_453 = arith.constant 0 : i32
      %dma_wait3A_454 = arith.constant 0 : i32
      %dma_wait3A_455 = tpu.memref_slice %arg3[%dma_wait3A_453, %dma_wait3A_454] : memref<1000000x64xf32, #tpu.memory_space<hbm>> -> memref<1000000x64xf32, #tpu.memory_space<hbm>>
      tpu.wait_indirect_dma semaphore(%arg10 : memref<!tpu.dma_semaphore, #tpu.memory_space<semaphore_mem>>) src(%dma_wait3A_455 : memref<1000000x64xf32, #tpu.memory_space<hbm>>) dst(%dma_wait3A_449 : memref<100x64xf32, #tpu.memory_space<vmem>>)
      %dma_wait3A_456 = arith.constant 1 : i32
      %dma_wait3A_457 = arith.constant 5 : i32
      %dma_wait3A_458 = arith.constant 1 : i32
      %dma_wait3A_459 = arith.constant 500 : i32
      %dma_wait3A_460 = arith.constant 0 : i32
      %dma_wait3A_461 = tpu.memref_slice %arg7[%dma_wait3A_458, %dma_wait3A_459, %dma_wait3A_460] : memref<2x800x64xf32, #tpu.memory_space<vmem>> -> memref<1x100x64xf32, #tpu.memory_space<vmem>>
      %dma_wait3A_462 = tpu.memref_squeeze %dma_wait3A_461 : memref<1x100x64xf32, #tpu.memory_space<vmem>> -> memref<100x64xf32, #tpu.memory_space<vmem>>
      %dma_wait3A_463 = arith.constant 0 : i32
      %dma_wait3A_464 = tpu.memref_slice %arg6[%dma_wait3A_456, %dma_wait3A_457, %dma_wait3A_463] : memref<2x8x100xi32, #tpu.memory_space<vmem>> -> memref<1x1x100xi32, #tpu.memory_space<vmem>>
      %dma_wait3A_465 = tpu.memref_squeeze %dma_wait3A_464 : memref<1x1x100xi32, #tpu.memory_space<vmem>> -> memref<100xi32, #tpu.memory_space<vmem>>
      %dma_wait3A_466 = arith.constant 0 : i32
      %dma_wait3A_467 = arith.constant 0 : i32
      %dma_wait3A_468 = tpu.memref_slice %arg3[%dma_wait3A_466, %dma_wait3A_467] : memref<1000000x64xf32, #tpu.memory_space<hbm>> -> memref<1000000x64xf32, #tpu.memory_space<hbm>>
      tpu.wait_indirect_dma semaphore(%arg10 : memref<!tpu.dma_semaphore, #tpu.memory_space<semaphore_mem>>) src(%dma_wait3A_468 : memref<1000000x64xf32, #tpu.memory_space<hbm>>) dst(%dma_wait3A_462 : memref<100x64xf32, #tpu.memory_space<vmem>>)
      %dma_wait3A_469 = arith.constant 1 : i32
      %dma_wait3A_470 = arith.constant 6 : i32
      %dma_wait3A_471 = arith.constant 1 : i32
      %dma_wait3A_472 = arith.constant 600 : i32
      %dma_wait3A_473 = arith.constant 0 : i32
      %dma_wait3A_474 = tpu.memref_slice %arg7[%dma_wait3A_471, %dma_wait3A_472, %dma_wait3A_473] : memref<2x800x64xf32, #tpu.memory_space<vmem>> -> memref<1x100x64xf32, #tpu.memory_space<vmem>>
      %dma_wait3A_475 = tpu.memref_squeeze %dma_wait3A_474 : memref<1x100x64xf32, #tpu.memory_space<vmem>> -> memref<100x64xf32, #tpu.memory_space<vmem>>
      %dma_wait3A_476 = arith.constant 0 : i32
      %dma_wait3A_477 = tpu.memref_slice %arg6[%dma_wait3A_469, %dma_wait3A_470, %dma_wait3A_476] : memref<2x8x100xi32, #tpu.memory_space<vmem>> -> memref<1x1x100xi32, #tpu.memory_space<vmem>>
      %dma_wait3A_478 = tpu.memref_squeeze %dma_wait3A_477 : memref<1x1x100xi32, #tpu.memory_space<vmem>> -> memref<100xi32, #tpu.memory_space<vmem>>
      %dma_wait3A_479 = arith.constant 0 : i32
      %dma_wait3A_480 = arith.constant 0 : i32
      %dma_wait3A_481 = tpu.memref_slice %arg3[%dma_wait3A_479, %dma_wait3A_480] : memref<1000000x64xf32, #tpu.memory_space<hbm>> -> memref<1000000x64xf32, #tpu.memory_space<hbm>>
      tpu.wait_indirect_dma semaphore(%arg10 : memref<!tpu.dma_semaphore, #tpu.memory_space<semaphore_mem>>) src(%dma_wait3A_481 : memref<1000000x64xf32, #tpu.memory_space<hbm>>) dst(%dma_wait3A_475 : memref<100x64xf32, #tpu.memory_space<vmem>>)
      %dma_wait3A_482 = arith.constant 1 : i32
      %dma_wait3A_483 = arith.constant 7 : i32
      %dma_wait3A_484 = arith.constant 1 : i32
      %dma_wait3A_485 = arith.constant 700 : i32
      %dma_wait3A_486 = arith.constant 0 : i32
      %dma_wait3A_487 = tpu.memref_slice %arg7[%dma_wait3A_484, %dma_wait3A_485, %dma_wait3A_486] : memref<2x800x64xf32, #tpu.memory_space<vmem>> -> memref<1x100x64xf32, #tpu.memory_space<vmem>>
      %dma_wait3A_488 = tpu.memref_squeeze %dma_wait3A_487 : memref<1x100x64xf32, #tpu.memory_space<vmem>> -> memref<100x64xf32, #tpu.memory_space<vmem>>
      %dma_wait3A_489 = arith.constant 0 : i32
      %dma_wait3A_490 = tpu.memref_slice %arg6[%dma_wait3A_482, %dma_wait3A_483, %dma_wait3A_489] : memref<2x8x100xi32, #tpu.memory_space<vmem>> -> memref<1x1x100xi32, #tpu.memory_space<vmem>>
      %dma_wait3A_491 = tpu.memref_squeeze %dma_wait3A_490 : memref<1x1x100xi32, #tpu.memory_space<vmem>> -> memref<100xi32, #tpu.memory_space<vmem>>
      %dma_wait3A_492 = arith.constant 0 : i32
      %dma_wait3A_493 = arith.constant 0 : i32
      %dma_wait3A_494 = tpu.memref_slice %arg3[%dma_wait3A_492, %dma_wait3A_493] : memref<1000000x64xf32, #tpu.memory_space<hbm>> -> memref<1000000x64xf32, #tpu.memory_space<hbm>>
      tpu.wait_indirect_dma semaphore(%arg10 : memref<!tpu.dma_semaphore, #tpu.memory_space<semaphore_mem>>) src(%dma_wait3A_494 : memref<1000000x64xf32, #tpu.memory_space<hbm>>) dst(%dma_wait3A_488 : memref<100x64xf32, #tpu.memory_space<vmem>>)
      %scan3A_495 = arith.constant 0 : i32
      %scan3A_496 = arith.constant 0 : i32
      %scan3A_497 = arith.constant 200 : i32
      %scan3A_498 = arith.addi %scan3A_496, %scan3A_497 : i32
      %scan3A_499 = arith.constant 1 : i32
      scf.for %scan3A_521 = %scan3A_496 to %scan3A_498 step %scan3A_499  : i32 {
        %get3A = arith.index_cast %scan3A_521 : i32 to index
        %get3A_522 = arith.constant 0 : index
        %get3A_523 = tpu.vector_load %arg8[%get3A, %get3A_522] {strides = array<i32>} : memref<200x64xf32, #tpu.memory_space<vmem>>, vector<1x16xf32>,
        %get3A_524 = vector.shape_cast %get3A_523 : vector<1x16xf32> to vector<16xf32>
        %add3A_525 = arith.constant 0 : i32
        %add3A_526 = arith.addi %add3A_525, %scan3A_521 : i32
        %swap3A = arith.constant 1 : i32
        %swap3A_527 = arith.index_cast %swap3A : i32 to index
        %swap3A_528 = arith.index_cast %add3A_526 : i32 to index
        %swap3A_529 = arith.constant 0 : index
        %swap3A_530 = tpu.vector_load %arg7[%swap3A_527, %swap3A_528, %swap3A_529] {strides = array<i32>} : memref<2x800x64xf32, #tpu.memory_space<vmem>>, vector<1x1x16xf32>,
        %swap3A_531 = vector.shape_cast %swap3A_530 : vector<1x1x16xf32> to vector<16xf32>
        %swap3A_532 = vector.shape_cast %get3A_524 : vector<16xf32> to vector<1x1x16xf32>
        tpu.vector_store %arg7[%swap3A_527, %swap3A_528, %swap3A_529], %swap3A_532 {add = true, strides = array<i32>} : memref<2x800x64xf32, #tpu.memory_space<vmem>>, vector<1x1x16xf32>,
        %add3A_533 = arith.constant 200 : i32
        %add3A_534 = arith.addi %add3A_533, %scan3A_521 : i32
        %swap3A_535 = arith.constant 1 : i32
        %swap3A_536 = arith.index_cast %swap3A_535 : i32 to index
        %swap3A_537 = arith.index_cast %add3A_534 : i32 to index
        %swap3A_538 = arith.constant 0 : index
        %swap3A_539 = tpu.vector_load %arg7[%swap3A_536, %swap3A_537, %swap3A_538] {strides = array<i32>} : memref<2x800x64xf32, #tpu.memory_space<vmem>>, vector<1x1x16xf32>,
        %swap3A_540 = vector.shape_cast %swap3A_539 : vector<1x1x16xf32> to vector<16xf32>
        %swap3A_541 = vector.shape_cast %get3A_524 : vector<16xf32> to vector<1x1x16xf32>
        tpu.vector_store %arg7[%swap3A_536, %swap3A_537, %swap3A_538], %swap3A_541 {add = true, strides = array<i32>} : memref<2x800x64xf32, #tpu.memory_space<vmem>>, vector<1x1x16xf32>,
        %add3A_542 = arith.constant 400 : i32
        %add3A_543 = arith.addi %add3A_542, %scan3A_521 : i32
        %swap3A_544 = arith.constant 1 : i32
        %swap3A_545 = arith.index_cast %swap3A_544 : i32 to index
        %swap3A_546 = arith.index_cast %add3A_543 : i32 to index
        %swap3A_547 = arith.constant 0 : index
        %swap3A_548 = tpu.vector_load %arg7[%swap3A_545, %swap3A_546, %swap3A_547] {strides = array<i32>} : memref<2x800x64xf32, #tpu.memory_space<vmem>>, vector<1x1x16xf32>,
        %swap3A_549 = vector.shape_cast %swap3A_548 : vector<1x1x16xf32> to vector<16xf32>
        %swap3A_550 = vector.shape_cast %get3A_524 : vector<16xf32> to vector<1x1x16xf32>
        tpu.vector_store %arg7[%swap3A_545, %swap3A_546, %swap3A_547], %swap3A_550 {add = true, strides = array<i32>} : memref<2x800x64xf32, #tpu.memory_space<vmem>>, vector<1x1x16xf32>,
        %add3A_551 = arith.constant 600 : i32
        %add3A_552 = arith.addi %add3A_551, %scan3A_521 : i32
        %swap3A_553 = arith.constant 1 : i32
        %swap3A_554 = arith.index_cast %swap3A_553 : i32 to index
        %swap3A_555 = arith.index_cast %add3A_552 : i32 to index
        %swap3A_556 = arith.constant 0 : index
        %swap3A_557 = tpu.vector_load %arg7[%swap3A_554, %swap3A_555, %swap3A_556] {strides = array<i32>} : memref<2x800x64xf32, #tpu.memory_space<vmem>>, vector<1x1x16xf32>,
        %swap3A_558 = vector.shape_cast %swap3A_557 : vector<1x1x16xf32> to vector<16xf32>
        %swap3A_559 = vector.shape_cast %get3A_524 : vector<16xf32> to vector<1x1x16xf32>
        tpu.vector_store %arg7[%swap3A_554, %swap3A_555, %swap3A_556], %swap3A_559 {add = true, strides = array<i32>} : memref<2x800x64xf32, #tpu.memory_space<vmem>>, vector<1x1x16xf32>,
        %get3A_560 = arith.index_cast %scan3A_521 : i32 to index
        %get3A_561 = arith.constant 16 : index
        %get3A_562 = tpu.vector_load %arg8[%get3A_560, %get3A_561] {strides = array<i32>} : memref<200x64xf32, #tpu.memory_space<vmem>>, vector<1x16xf32>,
        %get3A_563 = vector.shape_cast %get3A_562 : vector<1x16xf32> to vector<16xf32>
        %add3A_564 = arith.constant 0 : i32
        %add3A_565 = arith.addi %add3A_564, %scan3A_521 : i32
        %swap3A_566 = arith.constant 1 : i32
        %swap3A_567 = arith.index_cast %swap3A_566 : i32 to index
        %swap3A_568 = arith.index_cast %add3A_565 : i32 to index
        %swap3A_569 = arith.constant 16 : index
        %swap3A_570 = tpu.vector_load %arg7[%swap3A_567, %swap3A_568, %swap3A_569] {strides = array<i32>} : memref<2x800x64xf32, #tpu.memory_space<vmem>>, vector<1x1x16xf32>,
        %swap3A_571 = vector.shape_cast %swap3A_570 : vector<1x1x16xf32> to vector<16xf32>
        %swap3A_572 = vector.shape_cast %get3A_563 : vector<16xf32> to vector<1x1x16xf32>
        tpu.vector_store %arg7[%swap3A_567, %swap3A_568, %swap3A_569], %swap3A_572 {add = true, strides = array<i32>} : memref<2x800x64xf32, #tpu.memory_space<vmem>>, vector<1x1x16xf32>,
        %add3A_573 = arith.constant 200 : i32
        %add3A_574 = arith.addi %add3A_573, %scan3A_521 : i32
        %swap3A_575 = arith.constant 1 : i32
        %swap3A_576 = arith.index_cast %swap3A_575 : i32 to index
        %swap3A_577 = arith.index_cast %add3A_574 : i32 to index
        %swap3A_578 = arith.constant 16 : index
        %swap3A_579 = tpu.vector_load %arg7[%swap3A_576, %swap3A_577, %swap3A_578] {strides = array<i32>} : memref<2x800x64xf32, #tpu.memory_space<vmem>>, vector<1x1x16xf32>,
        %swap3A_580 = vector.shape_cast %swap3A_579 : vector<1x1x16xf32> to vector<16xf32>
        %swap3A_581 = vector.shape_cast %get3A_563 : vector<16xf32> to vector<1x1x16xf32>
        tpu.vector_store %arg7[%swap3A_576, %swap3A_577, %swap3A_578], %swap3A_581 {add = true, strides = array<i32>} : memref<2x800x64xf32, #tpu.memory_space<vmem>>, vector<1x1x16xf32>,
        %add3A_582 = arith.constant 400 : i32
        %add3A_583 = arith.addi %add3A_582, %scan3A_521 : i32
        %swap3A_584 = arith.constant 1 : i32
        %swap3A_585 = arith.index_cast %swap3A_584 : i32 to index
        %swap3A_586 = arith.index_cast %add3A_583 : i32 to index
        %swap3A_587 = arith.constant 16 : index
        %swap3A_588 = tpu.vector_load %arg7[%swap3A_585, %swap3A_586, %swap3A_587] {strides = array<i32>} : memref<2x800x64xf32, #tpu.memory_space<vmem>>, vector<1x1x16xf32>,
        %swap3A_589 = vector.shape_cast %swap3A_588 : vector<1x1x16xf32> to vector<16xf32>
        %swap3A_590 = vector.shape_cast %get3A_563 : vector<16xf32> to vector<1x1x16xf32>
        tpu.vector_store %arg7[%swap3A_585, %swap3A_586, %swap3A_587], %swap3A_590 {add = true, strides = array<i32>} : memref<2x800x64xf32, #tpu.memory_space<vmem>>, vector<1x1x16xf32>,
        %add3A_591 = arith.constant 600 : i32
        %add3A_592 = arith.addi %add3A_591, %scan3A_521 : i32
        %swap3A_593 = arith.constant 1 : i32
        %swap3A_594 = arith.index_cast %swap3A_593 : i32 to index
        %swap3A_595 = arith.index_cast %add3A_592 : i32 to index
        %swap3A_596 = arith.constant 16 : index
        %swap3A_597 = tpu.vector_load %arg7[%swap3A_594, %swap3A_595, %swap3A_596] {strides = array<i32>} : memref<2x800x64xf32, #tpu.memory_space<vmem>>, vector<1x1x16xf32>,
        %swap3A_598 = vector.shape_cast %swap3A_597 : vector<1x1x16xf32> to vector<16xf32>
        %swap3A_599 = vector.shape_cast %get3A_563 : vector<16xf32> to vector<1x1x16xf32>
        tpu.vector_store %arg7[%swap3A_594, %swap3A_595, %swap3A_596], %swap3A_599 {add = true, strides = array<i32>} : memref<2x800x64xf32, #tpu.memory_space<vmem>>, vector<1x1x16xf32>,
        %get3A_600 = arith.index_cast %scan3A_521 : i32 to index
        %get3A_601 = arith.constant 32 : index
        %get3A_602 = tpu.vector_load %arg8[%get3A_600, %get3A_601] {strides = array<i32>} : memref<200x64xf32, #tpu.memory_space<vmem>>, vector<1x16xf32>,
        %get3A_603 = vector.shape_cast %get3A_602 : vector<1x16xf32> to vector<16xf32>
        %add3A_604 = arith.constant 0 : i32
        %add3A_605 = arith.addi %add3A_604, %scan3A_521 : i32
        %swap3A_606 = arith.constant 1 : i32
        %swap3A_607 = arith.index_cast %swap3A_606 : i32 to index
        %swap3A_608 = arith.index_cast %add3A_605 : i32 to index
        %swap3A_609 = arith.constant 32 : index
        %swap3A_610 = tpu.vector_load %arg7[%swap3A_607, %swap3A_608, %swap3A_609] {strides = array<i32>} : memref<2x800x64xf32, #tpu.memory_space<vmem>>, vector<1x1x16xf32>,
        %swap3A_611 = vector.shape_cast %swap3A_610 : vector<1x1x16xf32> to vector<16xf32>
        %swap3A_612 = vector.shape_cast %get3A_603 : vector<16xf32> to vector<1x1x16xf32>
        tpu.vector_store %arg7[%swap3A_607, %swap3A_608, %swap3A_609], %swap3A_612 {add = true, strides = array<i32>} : memref<2x800x64xf32, #tpu.memory_space<vmem>>, vector<1x1x16xf32>,
        %add3A_613 = arith.constant 200 : i32
        %add3A_614 = arith.addi %add3A_613, %scan3A_521 : i32
        %swap3A_615 = arith.constant 1 : i32
        %swap3A_616 = arith.index_cast %swap3A_615 : i32 to index
        %swap3A_617 = arith.index_cast %add3A_614 : i32 to index
        %swap3A_618 = arith.constant 32 : index
        %swap3A_619 = tpu.vector_load %arg7[%swap3A_616, %swap3A_617, %swap3A_618] {strides = array<i32>} : memref<2x800x64xf32, #tpu.memory_space<vmem>>, vector<1x1x16xf32>,
        %swap3A_620 = vector.shape_cast %swap3A_619 : vector<1x1x16xf32> to vector<16xf32>
        %swap3A_621 = vector.shape_cast %get3A_603 : vector<16xf32> to vector<1x1x16xf32>
        tpu.vector_store %arg7[%swap3A_616, %swap3A_617, %swap3A_618], %swap3A_621 {add = true, strides = array<i32>} : memref<2x800x64xf32, #tpu.memory_space<vmem>>, vector<1x1x16xf32>,
        %add3A_622 = arith.constant 400 : i32
        %add3A_623 = arith.addi %add3A_622, %scan3A_521 : i32
        %swap3A_624 = arith.constant 1 : i32
        %swap3A_625 = arith.index_cast %swap3A_624 : i32 to index
        %swap3A_626 = arith.index_cast %add3A_623 : i32 to index
        %swap3A_627 = arith.constant 32 : index
        %swap3A_628 = tpu.vector_load %arg7[%swap3A_625, %swap3A_626, %swap3A_627] {strides = array<i32>} : memref<2x800x64xf32, #tpu.memory_space<vmem>>, vector<1x1x16xf32>,
        %swap3A_629 = vector.shape_cast %swap3A_628 : vector<1x1x16xf32> to vector<16xf32>
        %swap3A_630 = vector.shape_cast %get3A_603 : vector<16xf32> to vector<1x1x16xf32>
        tpu.vector_store %arg7[%swap3A_625, %swap3A_626, %swap3A_627], %swap3A_630 {add = true, strides = array<i32>} : memref<2x800x64xf32, #tpu.memory_space<vmem>>, vector<1x1x16xf32>,
        %add3A_631 = arith.constant 600 : i32
        %add3A_632 = arith.addi %add3A_631, %scan3A_521 : i32
        %swap3A_633 = arith.constant 1 : i32
        %swap3A_634 = arith.index_cast %swap3A_633 : i32 to index
        %swap3A_635 = arith.index_cast %add3A_632 : i32 to index
        %swap3A_636 = arith.constant 32 : index
        %swap3A_637 = tpu.vector_load %arg7[%swap3A_634, %swap3A_635, %swap3A_636] {strides = array<i32>} : memref<2x800x64xf32, #tpu.memory_space<vmem>>, vector<1x1x16xf32>,
        %swap3A_638 = vector.shape_cast %swap3A_637 : vector<1x1x16xf32> to vector<16xf32>
        %swap3A_639 = vector.shape_cast %get3A_603 : vector<16xf32> to vector<1x1x16xf32>
        tpu.vector_store %arg7[%swap3A_634, %swap3A_635, %swap3A_636], %swap3A_639 {add = true, strides = array<i32>} : memref<2x800x64xf32, #tpu.memory_space<vmem>>, vector<1x1x16xf32>,
        %get3A_640 = arith.index_cast %scan3A_521 : i32 to index
        %get3A_641 = arith.constant 48 : index
        %get3A_642 = tpu.vector_load %arg8[%get3A_640, %get3A_641] {strides = array<i32>} : memref<200x64xf32, #tpu.memory_space<vmem>>, vector<1x16xf32>,
        %get3A_643 = vector.shape_cast %get3A_642 : vector<1x16xf32> to vector<16xf32>
        %add3A_644 = arith.constant 0 : i32
        %add3A_645 = arith.addi %add3A_644, %scan3A_521 : i32
        %swap3A_646 = arith.constant 1 : i32
        %swap3A_647 = arith.index_cast %swap3A_646 : i32 to index
        %swap3A_648 = arith.index_cast %add3A_645 : i32 to index
        %swap3A_649 = arith.constant 48 : index
        %swap3A_650 = tpu.vector_load %arg7[%swap3A_647, %swap3A_648, %swap3A_649] {strides = array<i32>} : memref<2x800x64xf32, #tpu.memory_space<vmem>>, vector<1x1x16xf32>,
        %swap3A_651 = vector.shape_cast %swap3A_650 : vector<1x1x16xf32> to vector<16xf32>
        %swap3A_652 = vector.shape_cast %get3A_643 : vector<16xf32> to vector<1x1x16xf32>
        tpu.vector_store %arg7[%swap3A_647, %swap3A_648, %swap3A_649], %swap3A_652 {add = true, strides = array<i32>} : memref<2x800x64xf32, #tpu.memory_space<vmem>>, vector<1x1x16xf32>,
        %add3A_653 = arith.constant 200 : i32
        %add3A_654 = arith.addi %add3A_653, %scan3A_521 : i32
        %swap3A_655 = arith.constant 1 : i32
        %swap3A_656 = arith.index_cast %swap3A_655 : i32 to index
        %swap3A_657 = arith.index_cast %add3A_654 : i32 to index
        %swap3A_658 = arith.constant 48 : index
        %swap3A_659 = tpu.vector_load %arg7[%swap3A_656, %swap3A_657, %swap3A_658] {strides = array<i32>} : memref<2x800x64xf32, #tpu.memory_space<vmem>>, vector<1x1x16xf32>,
        %swap3A_660 = vector.shape_cast %swap3A_659 : vector<1x1x16xf32> to vector<16xf32>
        %swap3A_661 = vector.shape_cast %get3A_643 : vector<16xf32> to vector<1x1x16xf32>
        tpu.vector_store %arg7[%swap3A_656, %swap3A_657, %swap3A_658], %swap3A_661 {add = true, strides = array<i32>} : memref<2x800x64xf32, #tpu.memory_space<vmem>>, vector<1x1x16xf32>,
        %add3A_662 = arith.constant 400 : i32
        %add3A_663 = arith.addi %add3A_662, %scan3A_521 : i32
        %swap3A_664 = arith.constant 1 : i32
        %swap3A_665 = arith.index_cast %swap3A_664 : i32 to index
        %swap3A_666 = arith.index_cast %add3A_663 : i32 to index
        %swap3A_667 = arith.constant 48 : index
        %swap3A_668 = tpu.vector_load %arg7[%swap3A_665, %swap3A_666, %swap3A_667] {strides = array<i32>} : memref<2x800x64xf32, #tpu.memory_space<vmem>>, vector<1x1x16xf32>,
        %swap3A_669 = vector.shape_cast %swap3A_668 : vector<1x1x16xf32> to vector<16xf32>
        %swap3A_670 = vector.shape_cast %get3A_643 : vector<16xf32> to vector<1x1x16xf32>
        tpu.vector_store %arg7[%swap3A_665, %swap3A_666, %swap3A_667], %swap3A_670 {add = true, strides = array<i32>} : memref<2x800x64xf32, #tpu.memory_space<vmem>>, vector<1x1x16xf32>,
        %add3A_671 = arith.constant 600 : i32
        %add3A_672 = arith.addi %add3A_671, %scan3A_521 : i32
        %swap3A_673 = arith.constant 1 : i32
        %swap3A_674 = arith.index_cast %swap3A_673 : i32 to index
        %swap3A_675 = arith.index_cast %add3A_672 : i32 to index
        %swap3A_676 = arith.constant 48 : index
        %swap3A_677 = tpu.vector_load %arg7[%swap3A_674, %swap3A_675, %swap3A_676] {strides = array<i32>} : memref<2x800x64xf32, #tpu.memory_space<vmem>>, vector<1x1x16xf32>,
        %swap3A_678 = vector.shape_cast %swap3A_677 : vector<1x1x16xf32> to vector<16xf32>
        %swap3A_679 = vector.shape_cast %get3A_643 : vector<16xf32> to vector<1x1x16xf32>
        tpu.vector_store %arg7[%swap3A_674, %swap3A_675, %swap3A_676], %swap3A_679 {add = true, strides = array<i32>} : memref<2x800x64xf32, #tpu.memory_space<vmem>>, vector<1x1x16xf32>,
      }
      %scan3A_500 = arith.constant 200 : i32
      %add3A_501 = arith.constant 1 : i32
      %add3A_502 = arith.addi %mul3A_144, %add3A_501 : i32
      %mul3A_503 = arith.constant 32 : i32
      %mul3A_504 = arith.muli %add3A, %mul3A_503 : i32
      %add3A_505 = arith.addi %mul3A_504, %add3A_502 : i32
      %mul3A_506 = arith.constant 800 : i32
      %mul3A_507 = arith.muli %add3A_505, %mul3A_506 : i32
      %dma_start3A_508 = arith.constant 1 : i32
      %dma_start3A_509 = arith.constant 0 : i32
      %dma_start3A_510 = arith.constant 0 : i32
      %dma_start3A_511 = tpu.memref_slice %arg7[%dma_start3A_508, %dma_start3A_509, %dma_start3A_510] : memref<2x800x64xf32, #tpu.memory_space<vmem>> -> memref<1x800x64xf32, #tpu.memory_space<vmem>>
      %dma_start3A_512 = tpu.memref_squeeze %dma_start3A_511 : memref<1x800x64xf32, #tpu.memory_space<vmem>> -> memref<800x64xf32, #tpu.memory_space<vmem>>
      %dma_start3A_513 = arith.constant 0 : i32
      %dma_start3A_514 = tpu.memref_slice %arg5[%mul3A_507, %dma_start3A_513] : memref<819200x64xf32, #tpu.memory_space<hbm>> -> memref<800x64xf32, #tpu.memory_space<hbm>>
      %dma_start3A_515 = arith.constant 0 : i32
      %dma_start3A_516 = tpu.memref_slice %arg5[%mul3A_507, %dma_start3A_515] : memref<819200x64xf32, #tpu.memory_space<hbm>> -> memref<800x64xf32, #tpu.memory_space<hbm>>
      %dma_start3A_517 = arith.constant 0 : i32
      %dma_start3A_518 = arith.constant 0 : i32
      %dma_start3A_519 = tpu.memref_slice %arg7[%dma_start3A_508, %dma_start3A_517, %dma_start3A_518] : memref<2x800x64xf32, #tpu.memory_space<vmem>> -> memref<1x800x64xf32, #tpu.memory_space<vmem>>
      %dma_start3A_520 = tpu.memref_squeeze %dma_start3A_519 : memref<1x800x64xf32, #tpu.memory_space<vmem>> -> memref<800x64xf32, #tpu.memory_space<vmem>>
      tpu.enqueue_dma source(%dma_start3A_520 : memref<800x64xf32, #tpu.memory_space<vmem>>) target(%dma_start3A_516 : memref<800x64xf32, #tpu.memory_space<hbm>>) target_semaphore(%arg12 : memref<!tpu.dma_semaphore, #tpu.memory_space<semaphore_mem>>)
    }
    %scan3A_112 = arith.constant 16 : i32
    %dma_wait3A = arith.constant 0 : i32
    %dma_wait3A_113 = arith.constant 0 : i32
    %dma_wait3A_114 = arith.constant 0 : i32
    %dma_wait3A_115 = tpu.memref_slice %arg7[%dma_wait3A, %dma_wait3A_113, %dma_wait3A_114] : memref<2x800x64xf32, #tpu.memory_space<vmem>> -> memref<1x800x64xf32, #tpu.memory_space<vmem>>
    %dma_wait3A_116 = tpu.memref_squeeze %dma_wait3A_115 : memref<1x800x64xf32, #tpu.memory_space<vmem>> -> memref<800x64xf32, #tpu.memory_space<vmem>>
    %dma_wait3A_117 = arith.constant 0 : i32
    %dma_wait3A_118 = arith.constant 0 : i32
    %dma_wait3A_119 = tpu.memref_slice %arg5[%dma_wait3A_117, %dma_wait3A_118] : memref<819200x64xf32, #tpu.memory_space<hbm>> -> memref<800x64xf32, #tpu.memory_space<hbm>>
    %dma_wait3A_120 = arith.constant 0 : i32
    %dma_wait3A_121 = arith.constant 0 : i32
    %dma_wait3A_122 = tpu.memref_slice %arg5[%dma_wait3A_120, %dma_wait3A_121] : memref<819200x64xf32, #tpu.memory_space<hbm>> -> memref<800x64xf32, #tpu.memory_space<hbm>>
    %dma_wait3A_123 = arith.constant 0 : i32
    %dma_wait3A_124 = arith.constant 0 : i32
    %dma_wait3A_125 = tpu.memref_slice %arg7[%dma_wait3A, %dma_wait3A_123, %dma_wait3A_124] : memref<2x800x64xf32, #tpu.memory_space<vmem>> -> memref<1x800x64xf32, #tpu.memory_space<vmem>>
    %dma_wait3A_126 = tpu.memref_squeeze %dma_wait3A_125 : memref<1x800x64xf32, #tpu.memory_space<vmem>> -> memref<800x64xf32, #tpu.memory_space<vmem>>
    tpu.wait_dma2 semaphore(%arg11 : memref<!tpu.dma_semaphore, #tpu.memory_space<semaphore_mem>>) src(%dma_wait3A_126 : memref<800x64xf32, #tpu.memory_space<vmem>>) dst(%dma_wait3A_122 : memref<800x64xf32, #tpu.memory_space<hbm>>)
    %dma_wait3A_127 = arith.constant 1 : i32
    %dma_wait3A_128 = arith.constant 0 : i32
    %dma_wait3A_129 = arith.constant 0 : i32
    %dma_wait3A_130 = tpu.memref_slice %arg7[%dma_wait3A_127, %dma_wait3A_128, %dma_wait3A_129] : memref<2x800x64xf32, #tpu.memory_space<vmem>> -> memref<1x800x64xf32, #tpu.memory_space<vmem>>
    %dma_wait3A_131 = tpu.memref_squeeze %dma_wait3A_130 : memref<1x800x64xf32, #tpu.memory_space<vmem>> -> memref<800x64xf32, #tpu.memory_space<vmem>>
    %dma_wait3A_132 = arith.constant 0 : i32
    %dma_wait3A_133 = arith.constant 0 : i32
    %dma_wait3A_134 = tpu.memref_slice %arg5[%dma_wait3A_132, %dma_wait3A_133] : memref<819200x64xf32, #tpu.memory_space<hbm>> -> memref<800x64xf32, #tpu.memory_space<hbm>>
    %dma_wait3A_135 = arith.constant 0 : i32
    %dma_wait3A_136 = arith.constant 0 : i32
    %dma_wait3A_137 = tpu.memref_slice %arg5[%dma_wait3A_135, %dma_wait3A_136] : memref<819200x64xf32, #tpu.memory_space<hbm>> -> memref<800x64xf32, #tpu.memory_space<hbm>>
    %dma_wait3A_138 = arith.constant 0 : i32
    %dma_wait3A_139 = arith.constant 0 : i32
    %dma_wait3A_140 = tpu.memref_slice %arg7[%dma_wait3A_127, %dma_wait3A_138, %dma_wait3A_139] : memref<2x800x64xf32, #tpu.memory_space<vmem>> -> memref<1x800x64xf32, #tpu.memory_space<vmem>>
    %dma_wait3A_141 = tpu.memref_squeeze %dma_wait3A_140 : memref<1x800x64xf32, #tpu.memory_space<vmem>> -> memref<800x64xf32, #tpu.memory_space<vmem>>
    tpu.wait_dma2 semaphore(%arg12 : memref<!tpu.dma_semaphore, #tpu.memory_space<semaphore_mem>>) src(%dma_wait3A_141 : memref<800x64xf32, #tpu.memory_space<vmem>>) dst(%dma_wait3A_137 : memref<800x64xf32, #tpu.memory_space<hbm>>)
    return
  }
}

</mosaic_0001>

<sc_bundles>
// kernel: kernel.3.cloned.1.call-start
scs
__scs_entry_jumppad:
0x0: {  	(pc) =	sbr.rel $0x88, $3  }
0x1: {  	(tag) =	ssettag $0x0;
	lr =	simm.s32 $0x1  }
0x2: {  	[smem:$0x3F9E] =	sst lr;
	_ =	strace $0xD0000000  }
0x3: {  	_ = 	snop  }
0x4: {  	_ = 	snop  }
0x5: {  	_ = 	snop  }
0x6: {  	_ = 	snop  }
0x7: {  	_ = 	snop  }
__scs_overlays_trampoline_lowered:
0x8: {  	[smem:$0x3FAD] =	sst s0  }
0x9: {  	[smem:$0x3FAE] =	sst s1  }
0xa: {  	[smem:$0x3FAF] =	sst s2  }
0xb: {  	[smem:$0x3FB0] =	sst s3  }
0xc: {  	[smem:$0x3FB1] =	sst s4  }
0xd: {  	[smem:$0x3FB2] =	sst s5  }
0xe: {  	[smem:$0x3FB3] =	sst s6  }
0xf: {  	[smem:$0x3FB4] =	sst s7  }
0x10: {  	[smem:$0x3FB5] =	sst s8  }
0x11: {  	[smem:$0x3FB6] =	sst s9;
	s0 =	simm.s32 @!p0 $0x0  }
0x12: {  	s1 =	sld [smem:$0x3F9C];
	s0 =	simm.s32 @p0 $0x1  }
0x13: {  	[smem:$0x3FB7] =	sst s0;
	s0 =	simm.s32 @!p1 $0x0  }
0x14: {  	s2 =	sld [smem:$0x3F9B];
	s0 =	simm.s32 @p1 $0x1  }
0x15: {  	[smem:$0x3FB8] =	sst s0;
	s0 =	simm.s32 @!p2 $0x0  }
0x16: {  	s3 =	sld [smem:$0x3FDB];
	s0 =	simm.s32 @p2 $0x1  }
0x17: {  	s4 =	simm.s32 $0x1BF5;
	[smem:$0x3FBA] =	sst s0  }
0x18: {  	s0 =	sld [smem:$0x3F9D];
	_ =	swait.ge [sflag:s4], $0x0  }
0x19: {  	s7 =	sld [smem:$0x3F9E]  }
0x1a: {  	s8 =	sadd.s32 $0xFFFFE003, lr  }
0x1b: {  	s9 =	sadd.s32 $0xFFFFFEF7, lr;
	s5 =	simm.s32 $0xFFFFFFFF;
	p2 =	slt.u32 s8, $0xFFFFF086  }
0x1c: {  	p1 =	slt.u32 s9, $0xF7A;
	s5 =	simm.s32 @!p2 $0x0  }
0x1d: {  	s5 =	simm.s32 @p1 $0x1;
	p0 =	seq.s32 s7, s2  }
0x1e: {  	s7 =	smul.u32 @!p0 $0xF7A, s2;
	p2 =	seq.s32 @!p0 s5, $0x0  }
0x1f: {  	s9 =	smul.u32 $0xF7A, s1;
	s8 =	simm.s32 @!p0 $0x1BF5;
	p2 =	por !p2, p0  }
0x20: {  	[sflag:s8] =	ssyncset.s32 @!p0 $0xFFFFF086;
	s6 =	sadd.s32 @!p0 s3, s7;
	s7 =	simm.s32 @!p0 $0x108  }
0x21: {  	s3 =	sadd.s32 s3, s9;
	s6 =	sadd.s32 @!p0 $0x88, s6;
	s7 =	simm.s32 @p2 $0x1082  }
0x22: {  	[simem:s7], [sflag:s8] =	dma.local @!p0 [hbm:s6], $0xF7A  }
0x23: {  	s9 =	sor.u32 $0xD0000000, s2;
	s6 =	simm.s32 $0x108;
	_ =	swait.ge @!p0 [sflag:s8], $0x0  }
0x24: {  	s3 =	sadd.s32 $0x88, s3;
	s6 =	simm.s32 @!p1 $0x1082;
	[sflag:s4] =	ssyncset.s32 $0xFFFFF086  }
0x25: {  	[simem:s6], [sflag:s4] =	dma.local [hbm:s3], $0xF7A  }
0x26: {  	[smem:$0x3F9E] =	sst s1;
	(tag) =	ssettag s2;
	_ =	strace s9  }
0x27: {  	s1 =	sld [smem:$0x3FAE]  }
0x28: {  	s2 =	sld [smem:$0x3FAF]  }
0x29: {  	s4 =	sld [smem:$0x3FB1]  }
0x2a: {  	p0 =	seq.s32 s5, $0x0;
	s5 =	sld [smem:$0x3FB2]  }
0x2b: {  	s6 =	sld [smem:$0x3FB3]  }
0x2c: {  	s7 =	sld [smem:$0x3FB4]  }
0x2d: {  	s3 =	simm.s32 $0x108;
	s8 =	sld [smem:$0x3FB5]  }
0x2e: {  	s3 =	simm.s32 @!p0 $0x1082;
	s9 =	sld [smem:$0x3FB6]  }
0x2f: {  	lr =	sadd.s32 s0, s3;
	s0 =	sld [smem:$0x3FAD]  }
0x30: {  	s3 =	sld [smem:$0x3FB0]  }
0x31: {  	[smem:$0x3FB9] =	sst s10  }
0x32: {  	s10 =	sld [smem:$0x3FB7];
	_ =	sdelay $0x3  }
0x33: {  	p0 =	seq.s32 s10, $0x1;
	s10 =	sld [smem:$0x3FB9];
	_ =	sdelay $0x3  }
0x34: {  	[smem:$0x3FB9] =	sst s10  }
0x35: {  	s10 =	sld [smem:$0x3FB8];
	_ =	sdelay $0x3  }
0x36: {  	p1 =	seq.s32 s10, $0x1;
	s10 =	sld [smem:$0x3FB9];
	_ =	sdelay $0x3  }
0x37: {  	[smem:$0x3FB9] =	sst s10  }
0x38: {  	s10 =	sld [smem:$0x3FBA]  }
0x39: {  	_ = 	snop;
	(pc) =	sbr.ind lr, $3  }
0x3a: {  	_ = 	snop  }
0x3b: {  	_ = 	snop  }
0x3c: {  	p2 =	seq.s32 s10, $0x1;
	s10 =	sld [smem:$0x3FB9]  }
0x3d: {  	_ =	shalt  }
0x3e: {  	_ =	shalt  }
0x3f: {  	_ =	shalt  }
0x40: {  	_ =	shalt  }
0x41: {  	_ =	shalt  }
0x42: {  	_ =	shalt  }
0x43: {  	_ =	shalt  }
0x44: {  	_ =	shalt  }
0x45: {  	_ =	shalt  }
0x46: {  	_ =	shalt  }
0x47: {  	_ =	shalt  }
0x48: {  	_ =	shalt  }
0x49: {  	_ =	shalt  }
0x4a: {  	_ =	shalt  }
0x4b: {  	_ =	shalt  }
0x4c: {  	_ =	shalt  }
0x4d: {  	_ =	shalt  }
0x4e: {  	_ =	shalt  }
0x4f: {  	_ =	shalt  }
0x50: {  	_ =	shalt  }
0x51: {  	_ =	shalt  }
0x52: {  	_ =	shalt  }
0x53: {  	_ =	shalt  }
0x54: {  	_ =	shalt  }
0x55: {  	_ =	shalt  }
0x56: {  	_ =	shalt  }
0x57: {  	_ =	shalt  }
0x58: {  	_ =	shalt  }
0x59: {  	_ =	shalt  }
0x5a: {  	_ =	shalt  }
0x5b: {  	_ =	shalt  }
0x5c: {  	_ =	shalt  }
0x5d: {  	_ =	shalt  }
0x5e: {  	_ =	shalt  }
0x5f: {  	_ =	shalt  }
0x60: {  	_ =	shalt  }
0x61: {  	_ =	shalt  }
0x62: {  	_ =	shalt  }
0x63: {  	_ =	shalt  }
0x64: {  	_ =	shalt  }
0x65: {  	_ =	shalt  }
0x66: {  	_ =	shalt  }
0x67: {  	_ =	shalt  }
0x68: {  	_ =	shalt  }
0x69: {  	_ =	shalt  }
0x6a: {  	_ =	shalt  }
0x6b: {  	_ =	shalt  }
0x6c: {  	_ =	shalt  }
0x6d: {  	_ =	shalt  }
0x6e: {  	_ =	shalt  }
0x6f: {  	_ =	shalt  }
0x70: {  	_ =	shalt  }
0x71: {  	_ =	shalt  }
0x72: {  	_ =	shalt  }
0x73: {  	_ =	shalt  }
0x74: {  	_ =	shalt  }
0x75: {  	_ =	shalt  }
0x76: {  	_ =	shalt  }
0x77: {  	_ =	shalt  }
0x78: {  	_ =	shalt  }
0x79: {  	_ =	shalt  }
0x7a: {  	_ =	shalt  }
0x7b: {  	_ =	shalt  }
0x7c: {  	_ =	shalt  }
0x7d: {  	_ =	shalt  }
0x7e: {  	_ =	shalt  }
0x7f: {  	_ =	shalt  }
0x80: {  	_ =	shalt  }
0x81: {  	_ =	shalt  }
0x82: {  	_ =	shalt  }
0x83: {  	_ =	shalt  }
0x84: {  	_ =	shalt  }
0x85: {  	_ =	shalt  }
0x86: {  	_ =	shalt  }
0x87: {  	_ =	shalt  }
.Lfunc_end0:
.L_simem_size_0:
called_computation.1_lowered:
.L_overlay_start_0:
0x88: {  	s2 =	sld [smem:$0x3FD9]  }
0x89: {  	s3 =	sld [smem:$0x3FFE];
	_ =	sdelay $0x1  }
0x8a: {  	s1 =	srdreg.scid  }
0x8b: {  	s0 =	sand.u32 $0x1, s1  }
0x8c: {  	s17 =	sshll.u32 s0, $0xA;
	s2 =	sadd.s32 s3, s2  }
0x8d: {  	s2 =	sadd.s32 s2, s17  }
0x8e: {  	[smem:$0x3FC5] =	sst s2  }
0x8f: {  	_ = 	snop  }
0x90: {  	s2 =	sld [smem:$0x3FD0];
	(tm) =	ssettm $0x1  }
0x91: {  	s18 =	sld [smem:$0x3FFB];
	_ =	sdelay $0x3  }
0x92: {  	_ =	strace s18  }
0x93: {  	s3 =	sld [smem:$0x3FFC];
	_ =	sdelay $0x3  }
0x94: {  	_ =	strace s3  }
0x95: {  	s3 =	sld [smem:$0x3FFD];
	_ =	sdelay $0x3  }
0x96: {  	_ =	strace s3  }
0x97: {  	_ =	strace $0x8FFFFFFF  }
0x98: {  	s19 =	sld [smem:$0x3FDB];
	_ =	sdelay $0x1  }
0x99: {  	s4 =	simm.s32 $_scs_section_size  }
0x9a: {  	s5 =	simm.s32 $_size__tile_overlayer_lowered;
	s6 =	simm.s32 $_tile_overlayer_lowered  }
0x9b: {  	s22 =	simm.s32 $0x1BFF;
	s21 =	sshll.u32 s6, $0x1;
	s3 =	sadd.s32 s4, s19  }
0x9c: {  	s7 =	simm.s32 $0x0;
	s20 =	sshll.u32 s5, $0x1;
	s5 =	sadd.s32 s21, s3  }
0x9d: {  	[timem:s7], [sflag:s22] =	dma.local [hbm:s5], s20  }
0x9e: {  	_ =	swait.ge [sflag:s22], s20  }
0x9f: {  	s4 =	ssub.s32 $0x0, s20;
	[sflag:s22] =	ssyncset.done $0x0  }
0xa0: {  	[sflag:s22] =	ssyncadd.s32 s4;
	_ =	sdelay $0x1  }
0xa1: {  	s23 =	simm.s32 $0x1B8B  }
0xa2: {  	_ =	swait.ge [sflag:s23], $0x1  }
0xa3: {  	[sflag:s23] =	ssyncset.done $0x0  }
0xa4: {  	s25 =	simm.s32 $0x1B8E;
	s24 =	sld [smem:$0x3FFE];
	[sflag:s23] =	ssyncadd.s32 $0xFFFFFFFF  }
0xa5: {  	s26 =	simm.s32 $execute0_lowered;
	[smem:$0x3FD2] =	sst s25  }
0xa6: {  	s5 =	sshll.u32 s26, $0x1;
	_ =	strace $0x80000046;
	[dreg:$0x1] =	wrdreg $0xFFFFFFFF  }
0xa7: {  	s28 =	simm.s32 $_size_execute0_lowered;
	s3 =	sadd.s32 s3, s5;
	[dreg:$0x0] =	wrdreg $0x0  }
0xa8: {  	s5 =	sshll.u32 s28, $0x1;
	[dreg:$0x2] =	wrdreg s3  }
0xa9: {  	[dreg:$0x3] =	wrdreg s5  }
0xaa: {  	[dreg:$0x4] =	wrdreg $0xC0  }
0xab: {  	_ =	task [dreg:s7], $0x5FFFF  }
0xac: {  	[dreg:$0x1] =	wrdreg $0xFFFFFFFF  }
0xad: {  	[dreg:$0x0] =	wrdreg $0x60  }
0xae: {  	[dreg:$0x2] =	wrdreg s24  }
0xaf: {  	[dreg:$0x3] =	wrdreg s2  }
0xb0: {  	[dreg:$0x4] =	wrdreg $0x9  }
0xb1: {  	_ =	task.clear_ibuf [dreg:s7], $0x5FFFF;
	_ =	strace $0x90000046  }
0xb2: {  	s29 =	simm.s32 $0x9;
	_ =	strace $0x80000048  }
0xb3: {  	_ =	swait.ge [sflag:s29], $0x1  }
0xb4: {  	[sflag:s29] =	ssyncadd.s32 $0xFFFFFFFF  }
0xb5: {  	_ =	strace $0x90000048  }
0xb6: {  	_ =	sfence  }
0xb7: {  	s30 =	sld [smem:$0x0];
	_ =	sdelay $0x2  }
0xb8: {  	s31 =	sshll.u32 s1, $0xD;
	s1 =	sshrl.u32 s1, $0x2  }
0xb9: {  	s3 =	sand.u32 $0x4000, s31;
	s1 =	sadd.s32 s1, s30  }
0xba: {  	s0 =	sor.u32 s3, s0;
	s1 =	sshll.u32 s1, $0x11  }
0xbb: {  	s0 =	sor.u32 s1, s0  }
0xbc: {  	s0 =	sadd.s32 $0x8F2B, s0  }
0xbd: {  	[sflag:s0] =	ssyncadd.remote.s32 $0x1  }
0xbe: {  	_ =	sfence.sel $0xFFFF  }
0xbf: {  	[dreg:$0x0] =	wrdreg $0xFFFFFFFF;
	(pc) =	sbr.abs _section_cstart, $3  }
0xc0: {  	[dreg:$0x1] =	wrdreg $0xFFFFFFFF  }
0xc1: {  	_ =	task.clear_ibuf [dreg:s7], $0x2FFFF;
	_ =	strace $0x9FFFFFFF  }
0xc2: {  	(tm) =	ssettm $0x7FFFFFFF  }
0xc3: {  	_ =	shalt  }
tec
execute0_lowered:
.L_overlay_start_1:
0x0: {  	(tag) =	ssettag $0x1  }
0x1: {  	s0 =	rddreg [dreg:$0x0]  }
0x2: {  	s2 =	rddreg [dreg:$0x1]  }
0x3: {  	s1 =	srdreg.scid;
	s4 =	stileid.u32;
	s3 =	simm.s32 $0x0  }
0x4: {  	s13 =	simm.s32 $0x5;
	s14 =	simm.s32 $0x64;
	s31 =	simm.s32 $0x340  }
0x5: {  	s16 =	simm.s32 $0x410;
	s17 =	simm.s32 $0x10080;
	s18 =	simm.s32 $0x478  }
0x6: {  	s19 =	simm.s32 $0x11980;
	s20 =	simm.s32 $0x4E0;
	s21 =	simm.s32 $0x13280  }
0x7: {  	s22 =	simm.s32 $0x548;
	s23 =	simm.s32 $0x14B80;
	s24 =	simm.s32 $0x5B0  }
0x8: {  	s28 =	simm.s32 $0x17D80;
	s29 =	simm.s32 $0x1;
	s30 =	simm.s32 $0x2  }
0x9: {  	s1 =	sand.u32 $0x1, s1;
	s4 =	sshll.u32 s4, $0x6;
	[smem:$0x7FF] =	sst s3  }
0xa: {  	s6 =	sadd.s32 $0xF43000, s0;
	s5 =	sshll.u32 s1, $0x5;
	_ =	strace $0x80000047  }
0xb: {  	s1 =	ssub.s32 $0x2, s1;
	s4 =	sor.u32 s5, s4;
	s5 =	sadd.s32 $0xC00, s0  }
0xc: {  	s8 =	sshrl.u32 s1, $0x1;
	s0 =	sadd.s32 $0x1AC00, s0;
	s7 =	smul.u32 $0x68, s4  }
0xd: {  	[dreg:$0x3] =	wrdreg s0;
	s25 =	ssub.s32 s1, s8;
	s9 =	sor.u32 $0x2, s4  }
0xe: {  	s11 =	sor.u32 $0x1, s4;
	s8 =	simm.s32 $0x0;
	s0 =	smax.u32 s25, $0x1  }
0xf: {  	s25 =	simm.s32 $0x16480;
	s26 =	sadd.s32 s5, s7;
	[dreg:$0x5] =	wrdreg s0  }
0x10: {  	s0 =	simm.s32 $0xCE80;
	[dreg:$0x4] =	wrdreg s26;
	s26 =	simm.s32 $0x618  }
.LBB2_1:
0x11: {  	[dreg:$0x6] =	wrdreg s8  }
0x12: {  	s1 =	rddreg [dreg:$0x3];
	s7 =	simm.s32 $0x19680  }
0x13: {  	[tilespmem:s7], [sflag:$0x5] =	stream.linear.gather [hbm4b:s1+s3], $0x3200, $0x38;
	[tilespmem:$0x1C880] =	vst v63  }
0x14: {  	_ =	swait.ge [sflag:s13], $0x3200  }
0x15: {  	[sflag:s13] =	ssyncset.done $0x0  }
0x16: {  	s8 =	rddreg [dreg:$0x4];
	[sflag:s13] =	ssyncadd.s32 $0xFFFFCE00  }
0x17: {  	[tilespmem:s3], [sflag:$0x5] =	stream.linear.gather [hbm4b:s8+s3], $0x340, $0x38;
	[tilespmem:$0x1C880] =	vst v63  }
0x18: {  	_ =	swait.ge [sflag:s13], $0x340  }
0x19: {  	[sflag:s13] =	ssyncset.done $0x0  }
0x1a: {  	s10 =	simm.s32 $0x680;
	[sflag:s13] =	ssyncadd.s32 $0xFFFFFCC0  }
0x1b: {  	[tilespmem:s10], [sflag:$0x1] =	stream.indirect.gather [hbm4b:s6+s14], $0x40, s3, s14, $0xb8;
	[tilespmem:$0x1C880] =	vst v63  }
0x1c: {  	s12 =	simm.s32 $0x68;
	s15 =	simm.s32 $0x1F80  }
0x1d: {  	[tilespmem:s15], [sflag:$0x1] =	stream.indirect.gather [hbm4b:s6+s14], $0x40, s12, s14, $0xb8;
	[tilespmem:$0x1C880] =	vst v63  }
0x1e: {  	s8 =	simm.s32 $0xD0;
	s10 =	simm.s32 $0x3880  }
0x1f: {  	[tilespmem:s10], [sflag:$0x1] =	stream.indirect.gather [hbm4b:s6+s14], $0x40, s8, s14, $0xb8;
	[tilespmem:$0x1C880] =	vst v63  }
0x20: {  	s12 =	simm.s32 $0x138;
	s15 =	simm.s32 $0x5180  }
0x21: {  	[tilespmem:s15], [sflag:$0x1] =	stream.indirect.gather [hbm4b:s6+s14], $0x40, s12, s14, $0xb8;
	[tilespmem:$0x1C880] =	vst v63  }
0x22: {  	s8 =	simm.s32 $0x1A0;
	s10 =	simm.s32 $0x6A80  }
0x23: {  	[tilespmem:s10], [sflag:$0x1] =	stream.indirect.gather [hbm4b:s6+s14], $0x40, s8, s14, $0xb8;
	[tilespmem:$0x1C880] =	vst v63  }
0x24: {  	s12 =	simm.s32 $0x208;
	s15 =	simm.s32 $0x8380  }
0x25: {  	[tilespmem:s15], [sflag:$0x1] =	stream.indirect.gather [hbm4b:s6+s14], $0x40, s12, s14, $0xb8;
	[tilespmem:$0x1C880] =	vst v63  }
0x26: {  	s8 =	simm.s32 $0x270;
	s10 =	simm.s32 $0x9C80  }
0x27: {  	[tilespmem:s10], [sflag:$0x1] =	stream.indirect.gather [hbm4b:s6+s14], $0x40, s8, s14, $0xb8;
	[tilespmem:$0x1C880] =	vst v63  }
0x28: {  	s7 =	simm.s32 $0x0;
	s12 =	simm.s32 $0x2D8;
	s15 =	simm.s32 $0xB580  }
0x29: {  	[tilespmem:s15], [sflag:$0x1] =	stream.indirect.gather [hbm4b:s6+s14], $0x40, s12, s14, $0xb8;
	[tilespmem:$0x1C880] =	vst v63  }
.LBB2_2:
0x2a: {  	s10 =	sshll.u32 s7, $0x1;
	p0 =	seq.s32 s7, $0x0  }
0x2b: {  	s1 =	simm.s32 @!p0 $0x4;
	s8 =	sor.u32 s11, s10  }
0x2c: {  	_ =	swait.ge @!p0 [sflag:s1], $0xC800;
	s12 =	smul.u32 $0x68, s8  }
0x2d: {  	[sflag:s1] =	ssyncset.done @!p0 $0x0  }
0x2e: {  	s15 =	simm.s32 $0x0;
	[sflag:s1] =	ssyncadd.s32 @!p0 $0xFFFF3800;
	s12 =	sadd.s32 s5, s12  }
0x2f: {  	[tilespmem:s31], [sflag:$0x5] =	stream.linear.gather [hbm4b:s12+s15], $0x340, $0x38;
	[tilespmem:$0x1C880] =	vst v63  }
0x30: {  	_ =	swait.ge [sflag:s13], $0x340  }
0x31: {  	[sflag:s13] =	ssyncset.done $0x0  }
0x32: {  	[sflag:s13] =	ssyncadd.s32 $0xFFFFFCC0  }
0x33: {  	[tilespmem:s0], [sflag:$0x2] =	stream.indirect.gather [hbm4b:s6+s14], $0x40, s31, s14, $0xb8;
	[tilespmem:$0x1C880] =	vst v63  }
0x34: {  	s12 =	simm.s32 $0x3A8;
	s15 =	simm.s32 $0xE780  }
0x35: {  	[tilespmem:s15], [sflag:$0x2] =	stream.indirect.gather [hbm4b:s6+s14], $0x40, s12, s14, $0xb8;
	[tilespmem:$0x1C880] =	vst v63  }
0x36: {  	_ = 	snop  }
0x37: {  	[tilespmem:s17], [sflag:$0x2] =	stream.indirect.gather [hbm4b:s6+s14], $0x40, s16, s14, $0xb8;
	[tilespmem:$0x1C880] =	vst v63  }
0x38: {  	_ = 	snop  }
0x39: {  	[tilespmem:s19], [sflag:$0x2] =	stream.indirect.gather [hbm4b:s6+s14], $0x40, s18, s14, $0xb8;
	[tilespmem:$0x1C880] =	vst v63  }
0x3a: {  	_ = 	snop  }
0x3b: {  	[tilespmem:s21], [sflag:$0x2] =	stream.indirect.gather [hbm4b:s6+s14], $0x40, s20, s14, $0xb8;
	[tilespmem:$0x1C880] =	vst v63  }
0x3c: {  	_ = 	snop  }
0x3d: {  	[tilespmem:s23], [sflag:$0x2] =	stream.indirect.gather [hbm4b:s6+s14], $0x40, s22, s14, $0xb8;
	[tilespmem:$0x1C880] =	vst v63  }
0x3e: {  	_ = 	snop  }
0x3f: {  	[tilespmem:s25], [sflag:$0x2] =	stream.indirect.gather [hbm4b:s6+s14], $0x40, s24, s14, $0xb8;
	[tilespmem:$0x1C880] =	vst v63  }
0x40: {  	_ = 	snop  }
0x41: {  	[tilespmem:s28], [sflag:$0x2] =	stream.indirect.gather [hbm4b:s6+s14], $0x40, s26, s14, $0xb8;
	[tilespmem:$0x1C880] =	vst v63  }
0x42: {  	_ =	swait.ge [sflag:s29], $0x1900  }
0x43: {  	[sflag:s29] =	ssyncset.done $0x0  }
0x44: {  	[sflag:s29] =	ssyncadd.s32 $0xFFFFE700  }
0x45: {  	_ =	swait.ge [sflag:s29], $0x1900  }
0x46: {  	[sflag:s29] =	ssyncset.done $0x0  }
0x47: {  	[sflag:s29] =	ssyncadd.s32 $0xFFFFE700  }
0x48: {  	_ =	swait.ge [sflag:s29], $0x1900  }
0x49: {  	[sflag:s29] =	ssyncset.done $0x0  }
0x4a: {  	[sflag:s29] =	ssyncadd.s32 $0xFFFFE700  }
0x4b: {  	_ =	swait.ge [sflag:s29], $0x1900  }
0x4c: {  	[sflag:s29] =	ssyncset.done $0x0  }
0x4d: {  	[sflag:s29] =	ssyncadd.s32 $0xFFFFE700  }
0x4e: {  	_ =	swait.ge [sflag:s29], $0x1900  }
0x4f: {  	[sflag:s29] =	ssyncset.done $0x0  }
0x50: {  	[sflag:s29] =	ssyncadd.s32 $0xFFFFE700  }
0x51: {  	_ =	swait.ge [sflag:s29], $0x1900  }
0x52: {  	[sflag:s29] =	ssyncset.done $0x0  }
0x53: {  	[sflag:s29] =	ssyncadd.s32 $0xFFFFE700  }
0x54: {  	_ =	swait.ge [sflag:s29], $0x1900  }
0x55: {  	[sflag:s29] =	ssyncset.done $0x0  }
0x56: {  	[sflag:s29] =	ssyncadd.s32 $0xFFFFE700  }
0x57: {  	_ =	swait.ge [sflag:s29], $0x1900  }
0x58: {  	[sflag:s29] =	ssyncset.done $0x0  }
0x59: {  	s15 =	simm.s32 $0x0;
	[sflag:s29] =	ssyncadd.s32 $0xFFFFE700  }
0x5a: {  	v0 =	vld [tilespmem:s15+$0x196B0]  }
0x5b: {  	v1 =	vld [tilespmem:s15+$0x19680];
	_ =	sdelay $0x1  }
0x5c: {  	v2 =	vld [tilespmem:s15+$0x19690]  }
0x5d: {  	v3 =	vld [tilespmem:s15+$0x196A0]  }
0x5e: {  	[tilespmem:s15+$0x9CB0] =	vst.add.f32.msk $0xffff, v0  }
0x5f: {  	[tilespmem:s15+$0x680] =	vst.add.f32.msk $0xffff, v1  }
0x60: {  	[tilespmem:s15+$0x3880] =	vst.add.f32.msk $0xffff, v1  }
0x61: {  	[tilespmem:s15+$0x6A80] =	vst.add.f32.msk $0xffff, v1  }
0x62: {  	[tilespmem:s15+$0x9C80] =	vst.add.f32.msk $0xffff, v1  }
0x63: {  	[tilespmem:s15+$0x690] =	vst.add.f32.msk $0xffff, v2  }
0x64: {  	[tilespmem:s15+$0x3890] =	vst.add.f32.msk $0xffff, v2  }
0x65: {  	[tilespmem:s15+$0x6A90] =	vst.add.f32.msk $0xffff, v2  }
0x66: {  	[tilespmem:s15+$0x9C90] =	vst.add.f32.msk $0xffff, v2  }
0x67: {  	[tilespmem:s15+$0x6A0] =	vst.add.f32.msk $0xffff, v3  }
0x68: {  	[tilespmem:s15+$0x38A0] =	vst.add.f32.msk $0xffff, v3  }
0x69: {  	[tilespmem:s15+$0x6AA0] =	vst.add.f32.msk $0xffff, v3  }
0x6a: {  	[tilespmem:s15+$0x9CA0] =	vst.add.f32.msk $0xffff, v3  }
0x6b: {  	[tilespmem:s15+$0x6B0] =	vst.add.f32.msk $0xffff, v0  }
0x6c: {  	s1 =	simm.s32 $0x200;
	s12 =	simm.s32 $0x40;
	[tilespmem:s15+$0x38B0] =	vst.add.f32.msk $0xffff, v0  }
.LBB2_3:
0x6d: {  	p0 =	sne.s32 s1, $0xC700;
	v1 =	vld [tilespmem:s12+$0x196B0]  }
0x6e: {  	v2 =	vld [tilespmem:s12+$0x19680]  }
0x6f: {  	v3 =	vld [tilespmem:s12+$0x19690]  }
0x70: {  	v4 =	vld [tilespmem:s12+$0x196A0]  }
0x71: {  	[tilespmem:s15+$0x6AB0] =	vst.add.f32.msk $0xffff, v0;
	s15 =	smov.u32 s12  }
0x72: {  	[tilespmem:s15+$0x9CB0] =	vst.add.f32.msk $0xffff, v1;
	v0 =	vmov v1  }
0x73: {  	[tilespmem:s15+$0x680] =	vst.add.f32.msk $0xffff, v2  }
0x74: {  	[tilespmem:s15+$0x3880] =	vst.add.f32.msk $0xffff, v2  }
0x75: {  	[tilespmem:s15+$0x6A80] =	vst.add.f32.msk $0xffff, v2  }
0x76: {  	[tilespmem:s15+$0x9C80] =	vst.add.f32.msk $0xffff, v2  }
0x77: {  	[tilespmem:s15+$0x690] =	vst.add.f32.msk $0xffff, v3  }
0x78: {  	[tilespmem:s15+$0x3890] =	vst.add.f32.msk $0xffff, v3  }
0x79: {  	[tilespmem:s15+$0x6A90] =	vst.add.f32.msk $0xffff, v3  }
0x7a: {  	[tilespmem:s15+$0x9C90] =	vst.add.f32.msk $0xffff, v3  }
0x7b: {  	[tilespmem:s15+$0x6A0] =	vst.add.f32.msk $0xffff, v4  }
.Ltmp0:
0x7c: {  	[tilespmem:s15+$0x38A0] =	vst.add.f32.msk $0xffff, v4;
	(pc) =	sbr.rel @p0 .LBB2_3-.Ltmp0, $4  }
0x7d: {  	[tilespmem:s15+$0x6AA0] =	vst.add.f32.msk $0xffff, v4  }
0x7e: {  	[tilespmem:s15+$0x9CA0] =	vst.add.f32.msk $0xffff, v4  }
0x7f: {  	[tilespmem:s15+$0x6B0] =	vst.add.f32.msk $0xffff, v0  }
0x80: {  	s12 =	sshra.s32 s1, $0x2;
	s1 =	sadd.s32 $0x100, s1;
	[tilespmem:s15+$0x38B0] =	vst.add.f32.msk $0xffff, v0  }
0x81: {  	v1 =	vld [tilespmem:s12+$0x196B0]  }
0x82: {  	v2 =	vld [tilespmem:s12+$0x19680]  }
0x83: {  	v3 =	vld [tilespmem:s12+$0x19690]  }
0x84: {  	v4 =	vld [tilespmem:s12+$0x196A0]  }
0x85: {  	[tilespmem:s15+$0x6AB0] =	vst.add.f32.msk $0xffff, v0  }
0x86: {  	[tilespmem:s12+$0x9CB0] =	vst.add.f32.msk $0xffff, v1  }
0x87: {  	[tilespmem:s12+$0x680] =	vst.add.f32.msk $0xffff, v2  }
0x88: {  	[tilespmem:s12+$0x3880] =	vst.add.f32.msk $0xffff, v2  }
0x89: {  	[tilespmem:s12+$0x6A80] =	vst.add.f32.msk $0xffff, v2  }
0x8a: {  	[tilespmem:s12+$0x9C80] =	vst.add.f32.msk $0xffff, v2  }
0x8b: {  	[tilespmem:s12+$0x690] =	vst.add.f32.msk $0xffff, v3  }
0x8c: {  	[tilespmem:s12+$0x3890] =	vst.add.f32.msk $0xffff, v3  }
0x8d: {  	[tilespmem:s12+$0x6A90] =	vst.add.f32.msk $0xffff, v3  }
0x8e: {  	[tilespmem:s12+$0x9C90] =	vst.add.f32.msk $0xffff, v3  }
0x8f: {  	[tilespmem:s12+$0x6A0] =	vst.add.f32.msk $0xffff, v4  }
0x90: {  	[tilespmem:s12+$0x38A0] =	vst.add.f32.msk $0xffff, v4  }
0x91: {  	[tilespmem:s12+$0x6AA0] =	vst.add.f32.msk $0xffff, v4  }
0x92: {  	s1 =	sadd.s32 s4, s10;
	[tilespmem:s12+$0x9CA0] =	vst.add.f32.msk $0xffff, v4  }
0x93: {  	s1 =	smul.u32 $0x1900, s1;
	[tilespmem:s12+$0x6B0] =	vst.add.f32.msk $0xffff, v1  }
0x94: {  	[tilespmem:s12+$0x38B0] =	vst.add.f32.msk $0xffff, v1  }
0x95: {  	s15 =	simm.s32 $0x680;
	p0 =	seq.s32 s7, $0xF;
	s1 =	sadd.s32 s2, s1;
	[tilespmem:s12+$0x6AB0] =	vst.add.f32.msk $0xffff, v1  }
0x96: {  	[hbm4b:s1+s3] =	stream.linear.scatter [tilespmem:s15], [sflag:$0x3], $0xC800, $0x38;
	[tilespmem:$0x1C880] =	vst v63  }
0x97: {  	s10 =	sadd.s32 @!p0 s10, s9;
	s1 =	simm.s32 @!p0 $0x3  }
0x98: {  	s10 =	smul.u32 @!p0 $0x68, s10;
	_ =	swait.ge @!p0 [sflag:s1], $0xC800  }
0x99: {  	[sflag:s1] =	ssyncset.done @!p0 $0x0  }
0x9a: {  	[sflag:s1] =	ssyncadd.s32 @!p0 $0xFFFF3800;
	s1 =	sadd.s32 @!p0 s5, s10;
	s10 =	simm.s32 @!p0 $0x0  }
0x9b: {  	[tilespmem:s10], [sflag:$0x5] =	stream.linear.gather @!p0 [hbm4b:s1+s10], $0x340, $0x38;
	[tilespmem:$0x1C880] =	vst v63  }
0x9c: {  	s1 =	simm.s32 @!p0 $0x5  }
0x9d: {  	_ =	swait.ge @!p0 [sflag:s1], $0x340  }
0x9e: {  	[sflag:s1] =	ssyncset.done @!p0 $0x0  }
0x9f: {  	s12 =	simm.s32 @!p0 $0x680;
	[sflag:s1] =	ssyncadd.s32 @!p0 $0xFFFFFCC0;
	s1 =	simm.s32 @!p0 $0x64  }
0xa0: {  	[tilespmem:s12], [sflag:$0x1] =	stream.indirect.gather @!p0 [hbm4b:s6+s1], $0x40, s10, s1, $0xb8;
	[tilespmem:$0x1C880] =	vst v63  }
0xa1: {  	s10 =	simm.s32 @!p0 $0x68;
	s12 =	simm.s32 @!p0 $0x1F80  }
0xa2: {  	[tilespmem:s12], [sflag:$0x1] =	stream.indirect.gather @!p0 [hbm4b:s6+s1], $0x40, s10, s1, $0xb8;
	[tilespmem:$0x1C880] =	vst v63  }
0xa3: {  	s10 =	simm.s32 @!p0 $0xD0;
	s12 =	simm.s32 @!p0 $0x3880  }
0xa4: {  	[tilespmem:s12], [sflag:$0x1] =	stream.indirect.gather @!p0 [hbm4b:s6+s1], $0x40, s10, s1, $0xb8;
	[tilespmem:$0x1C880] =	vst v63  }
0xa5: {  	s10 =	simm.s32 @!p0 $0x138;
	s12 =	simm.s32 @!p0 $0x5180  }
0xa6: {  	[tilespmem:s12], [sflag:$0x1] =	stream.indirect.gather @!p0 [hbm4b:s6+s1], $0x40, s10, s1, $0xb8;
	[tilespmem:$0x1C880] =	vst v63  }
0xa7: {  	s10 =	simm.s32 @!p0 $0x1A0;
	s12 =	simm.s32 @!p0 $0x6A80  }
0xa8: {  	[tilespmem:s12], [sflag:$0x1] =	stream.indirect.gather @!p0 [hbm4b:s6+s1], $0x40, s10, s1, $0xb8;
	[tilespmem:$0x1C880] =	vst v63  }
0xa9: {  	s10 =	simm.s32 @!p0 $0x208;
	s12 =	simm.s32 @!p0 $0x8380  }
0xaa: {  	[tilespmem:s12], [sflag:$0x1] =	stream.indirect.gather @!p0 [hbm4b:s6+s1], $0x40, s10, s1, $0xb8;
	[tilespmem:$0x1C880] =	vst v63  }
0xab: {  	s10 =	simm.s32 @!p0 $0x270;
	s12 =	simm.s32 @!p0 $0x9C80  }
0xac: {  	[tilespmem:s12], [sflag:$0x1] =	stream.indirect.gather @!p0 [hbm4b:s6+s1], $0x40, s10, s1, $0xb8;
	[tilespmem:$0x1C880] =	vst v63  }
0xad: {  	s10 =	simm.s32 @!p0 $0x2D8;
	s12 =	simm.s32 @!p0 $0xB580  }
0xae: {  	[tilespmem:s12], [sflag:$0x1] =	stream.indirect.gather @!p0 [hbm4b:s6+s1], $0x40, s10, s1, $0xb8;
	[tilespmem:$0x1C880] =	vst v63  }
0xaf: {  	_ =	swait.ge [sflag:s30], $0x1900  }
0xb0: {  	[sflag:s30] =	ssyncset.done $0x0  }
0xb1: {  	[sflag:s30] =	ssyncadd.s32 $0xFFFFE700  }
0xb2: {  	_ =	swait.ge [sflag:s30], $0x1900  }
0xb3: {  	[sflag:s30] =	ssyncset.done $0x0  }
0xb4: {  	[sflag:s30] =	ssyncadd.s32 $0xFFFFE700  }
0xb5: {  	_ =	swait.ge [sflag:s30], $0x1900  }
0xb6: {  	[sflag:s30] =	ssyncset.done $0x0  }
0xb7: {  	[sflag:s30] =	ssyncadd.s32 $0xFFFFE700  }
0xb8: {  	_ =	swait.ge [sflag:s30], $0x1900  }
0xb9: {  	[sflag:s30] =	ssyncset.done $0x0  }
0xba: {  	[sflag:s30] =	ssyncadd.s32 $0xFFFFE700  }
0xbb: {  	_ =	swait.ge [sflag:s30], $0x1900  }
0xbc: {  	[sflag:s30] =	ssyncset.done $0x0  }
0xbd: {  	[sflag:s30] =	ssyncadd.s32 $0xFFFFE700  }
0xbe: {  	_ =	swait.ge [sflag:s30], $0x1900  }
0xbf: {  	[sflag:s30] =	ssyncset.done $0x0  }
0xc0: {  	[sflag:s30] =	ssyncadd.s32 $0xFFFFE700  }
0xc1: {  	_ =	swait.ge [sflag:s30], $0x1900  }
0xc2: {  	[sflag:s30] =	ssyncset.done $0x0  }
0xc3: {  	[sflag:s30] =	ssyncadd.s32 $0xFFFFE700  }
0xc4: {  	_ =	swait.ge [sflag:s30], $0x1900  }
0xc5: {  	[sflag:s30] =	ssyncset.done $0x0  }
0xc6: {  	s10 =	simm.s32 $0x0;
	[sflag:s30] =	ssyncadd.s32 $0xFFFFE700  }
0xc7: {  	v0 =	vld [tilespmem:s10+$0x196B0]  }
0xc8: {  	v1 =	vld [tilespmem:s10+$0x19680];
	_ =	sdelay $0x1  }
0xc9: {  	v2 =	vld [tilespmem:s10+$0x19690]  }
0xca: {  	v3 =	vld [tilespmem:s10+$0x196A0]  }
0xcb: {  	[tilespmem:s10+$0x164B0] =	vst.add.f32.msk $0xffff, v0  }
0xcc: {  	[tilespmem:s10+$0xCE80] =	vst.add.f32.msk $0xffff, v1  }
0xcd: {  	[tilespmem:s10+$0x10080] =	vst.add.f32.msk $0xffff, v1  }
0xce: {  	[tilespmem:s10+$0x13280] =	vst.add.f32.msk $0xffff, v1  }
0xcf: {  	[tilespmem:s10+$0x16480] =	vst.add.f32.msk $0xffff, v1  }
0xd0: {  	[tilespmem:s10+$0xCE90] =	vst.add.f32.msk $0xffff, v2  }
0xd1: {  	[tilespmem:s10+$0x10090] =	vst.add.f32.msk $0xffff, v2  }
0xd2: {  	[tilespmem:s10+$0x13290] =	vst.add.f32.msk $0xffff, v2  }
0xd3: {  	[tilespmem:s10+$0x16490] =	vst.add.f32.msk $0xffff, v2  }
0xd4: {  	[tilespmem:s10+$0xCEA0] =	vst.add.f32.msk $0xffff, v3  }
0xd5: {  	[tilespmem:s10+$0x100A0] =	vst.add.f32.msk $0xffff, v3  }
0xd6: {  	[tilespmem:s10+$0x132A0] =	vst.add.f32.msk $0xffff, v3  }
0xd7: {  	[tilespmem:s10+$0x164A0] =	vst.add.f32.msk $0xffff, v3  }
0xd8: {  	[tilespmem:s10+$0xCEB0] =	vst.add.f32.msk $0xffff, v0  }
0xd9: {  	s12 =	simm.s32 $0x40;
	s1 =	simm.s32 $0x200;
	[tilespmem:s10+$0x100B0] =	vst.add.f32.msk $0xffff, v0  }
.LBB2_5:
0xda: {  	p0 =	sne.s32 s1, $0xC700;
	v1 =	vld [tilespmem:s12+$0x196B0]  }
0xdb: {  	v2 =	vld [tilespmem:s12+$0x19680]  }
0xdc: {  	v3 =	vld [tilespmem:s12+$0x19690]  }
0xdd: {  	v4 =	vld [tilespmem:s12+$0x196A0]  }
0xde: {  	[tilespmem:s10+$0x132B0] =	vst.add.f32.msk $0xffff, v0;
	s10 =	smov.u32 s12  }
0xdf: {  	[tilespmem:s10+$0x164B0] =	vst.add.f32.msk $0xffff, v1;
	v0 =	vmov v1  }
0xe0: {  	[tilespmem:s10+$0xCE80] =	vst.add.f32.msk $0xffff, v2  }
0xe1: {  	[tilespmem:s10+$0x10080] =	vst.add.f32.msk $0xffff, v2  }
0xe2: {  	[tilespmem:s10+$0x13280] =	vst.add.f32.msk $0xffff, v2  }
0xe3: {  	[tilespmem:s10+$0x16480] =	vst.add.f32.msk $0xffff, v2  }
0xe4: {  	[tilespmem:s10+$0xCE90] =	vst.add.f32.msk $0xffff, v3  }
0xe5: {  	[tilespmem:s10+$0x10090] =	vst.add.f32.msk $0xffff, v3  }
0xe6: {  	[tilespmem:s10+$0x13290] =	vst.add.f32.msk $0xffff, v3  }
0xe7: {  	[tilespmem:s10+$0x16490] =	vst.add.f32.msk $0xffff, v3  }
0xe8: {  	[tilespmem:s10+$0xCEA0] =	vst.add.f32.msk $0xffff, v4  }
.Ltmp1:
0xe9: {  	[tilespmem:s10+$0x100A0] =	vst.add.f32.msk $0xffff, v4;
	(pc) =	sbr.rel @p0 .LBB2_5-.Ltmp1, $4  }
0xea: {  	[tilespmem:s10+$0x132A0] =	vst.add.f32.msk $0xffff, v4  }
0xeb: {  	[tilespmem:s10+$0x164A0] =	vst.add.f32.msk $0xffff, v4  }
0xec: {  	[tilespmem:s10+$0xCEB0] =	vst.add.f32.msk $0xffff, v0  }
0xed: {  	s12 =	sshra.s32 s1, $0x2;
	s1 =	sadd.s32 $0x100, s1;
	[tilespmem:s10+$0x100B0] =	vst.add.f32.msk $0xffff, v0  }
0xee: {  	v1 =	vld [tilespmem:s12+$0x196B0]  }
0xef: {  	v2 =	vld [tilespmem:s12+$0x19680]  }
0xf0: {  	v3 =	vld [tilespmem:s12+$0x19690]  }
0xf1: {  	v4 =	vld [tilespmem:s12+$0x196A0]  }
0xf2: {  	[tilespmem:s10+$0x132B0] =	vst.add.f32.msk $0xffff, v0  }
0xf3: {  	[tilespmem:s12+$0x164B0] =	vst.add.f32.msk $0xffff, v1  }
0xf4: {  	[tilespmem:s12+$0xCE80] =	vst.add.f32.msk $0xffff, v2  }
0xf5: {  	[tilespmem:s12+$0x10080] =	vst.add.f32.msk $0xffff, v2  }
0xf6: {  	[tilespmem:s12+$0x13280] =	vst.add.f32.msk $0xffff, v2  }
0xf7: {  	[tilespmem:s12+$0x16480] =	vst.add.f32.msk $0xffff, v2  }
0xf8: {  	[tilespmem:s12+$0xCE90] =	vst.add.f32.msk $0xffff, v3  }
0xf9: {  	[tilespmem:s12+$0x10090] =	vst.add.f32.msk $0xffff, v3  }
0xfa: {  	[tilespmem:s12+$0x13290] =	vst.add.f32.msk $0xffff, v3  }
0xfb: {  	[tilespmem:s12+$0x16490] =	vst.add.f32.msk $0xffff, v3  }
0xfc: {  	[tilespmem:s12+$0xCEA0] =	vst.add.f32.msk $0xffff, v4  }
0xfd: {  	s7 =	sadd.s32 $0x1, s7;
	[tilespmem:s12+$0x100A0] =	vst.add.f32.msk $0xffff, v4  }
0xfe: {  	p0 =	sne.s32 s7, $0x10;
	[tilespmem:s12+$0x132A0] =	vst.add.f32.msk $0xffff, v4  }
.Ltmp2:
0xff: {  	[tilespmem:s12+$0x164A0] =	vst.add.f32.msk $0xffff, v4;
	(pc) =	sbr.rel @p0 .LBB2_2-.Ltmp2, $4  }
0x100: {  	s1 =	smul.u32 $0x1900, s8;
	[tilespmem:s12+$0xCEB0] =	vst.add.f32.msk $0xffff, v1  }
0x101: {  	[tilespmem:s12+$0x100B0] =	vst.add.f32.msk $0xffff, v1  }
0x102: {  	s1 =	sadd.s32 s2, s1;
	[tilespmem:s12+$0x132B0] =	vst.add.f32.msk $0xffff, v1  }
0x103: {  	[hbm4b:s1+s3] =	stream.linear.scatter [tilespmem:s0], [sflag:$0x4], $0xC800, $0x38;
	[tilespmem:$0x1C880] =	vst v63  }
0x104: {  	s1 =	simm.s32 $0x3  }
0x105: {  	_ =	swait.ge [sflag:s1], $0xC800  }
0x106: {  	[sflag:s1] =	ssyncset.done $0x0  }
0x107: {  	s7 =	simm.s32 $0x4;
	[sflag:s1] =	ssyncadd.s32 $0xFFFF3800  }
0x108: {  	_ =	swait.ge [sflag:s7], $0xC800  }
0x109: {  	s8 =	rddreg [dreg:$0x6]  }
0x10a: {  	s15 =	rddreg [dreg:$0x5];
	s8 =	sadd.s32 $0x1, s8  }
0x10b: {  	p0 =	sne.s32 s8, s15  }
.Ltmp3:
0x10c: {  	_ = 	snop;
	(pc) =	sbr.rel @p0 .LBB2_1-.Ltmp3, $3  }
0x10d: {  	_ =	sdelay $0x1  }
0x10e: {  	[sflag:s7] =	ssyncset.done $0x0  }
0x10f: {  	[sflag:s7] =	ssyncadd.s32 $0xFFFF3800  }
0x110: {  	_ =	sfence.sel $0x180000  }
0x111: {  	[bflag:$0x0] =	sbarrier.arrive $0xFFFF  }
0x112: {  	_ =	strace $0x90000047  }
0x113: {  	s0 =	stileid.u32;
	[bflag:$0x2] =	sbarrier.arrive $0xFFFF  }
0x114: {  	p0 =	sne.s32 s0, $0x0;
	s0 =	rddreg [dreg:$0x2]  }
0x115: {  	s0 =	sadd.s32 @!p0 $0x100000, s0  }
0x116: {  	[sflag:s0] =	ssyncadd.tile.s32 @!p0 $0x1;
	_ =	shalt  }
.Lfunc_end2:
_tile_overlayer_lowered:
.L_overlay_start_2:
0x117: {  	(tag) =	ssettag $0x2  }
0x118: {  	s0 =	rddreg [dreg:$0x0];
	s2 =	stileid.u32  }
0x119: {  	s1 =	rddreg [dreg:$0x1];
	p0 =	sne.s32 s2, $0x0  }
0x11a: {  	s3 =	rddreg [dreg:$0x2];
	[bflag:$0x3] =	sbarrier.arrive $0xFFFF;
	s2 =	simm.s32 @!p0 $0x1C05  }
0x11b: {  	[timem:s3], [sflag:s2] =	dma.local @!p0 [hbm:s0], s1  }
0x11c: {  	s0 =	simm.s32 @!p0 $0x5  }
0x11d: {  	_ =	swait.ge @!p0 [sflag:s0], s1  }
0x11e: {  	s1 =	ssub.s32 @!p0 $0x0, s1;
	[sflag:s0] =	ssyncset.done @!p0 $0x0  }
0x11f: {  	[sflag:s0] =	ssyncadd.s32 @!p0 s1  }
0x120: {  	[bflag:$0x3] =	sbarrier.arrive $0xFFFF  }
0x121: {  	_ =	shalt  }

// kernel: sparse-core-data-format-call.cloned.1.call-start
scs
called_computation_lowered:
.L_overlay_start_0:
0x0: {  	s2 =	sld [smem:$0x3FD9]  }
0x1: {  	s3 =	sld [smem:$0x3FFE];
	_ =	sdelay $0x1  }
0x2: {  	s1 =	srdreg.scid  }
0x3: {  	s0 =	sand.u32 $0x1, s1  }
0x4: {  	s18 =	sshll.u32 s0, $0xA;
	s2 =	sadd.s32 s3, s2  }
0x5: {  	s2 =	sadd.s32 s2, s18  }
0x6: {  	[smem:$0x3FC5] =	sst s2  }
0x7: {  	_ = 	snop  }
0x8: {  	s2 =	sld [smem:$0x3FD0];
	(tm) =	ssettm $0x1  }
0x9: {  	s19 =	sld [smem:$0x3FFB];
	_ =	sdelay $0x3  }
0xa: {  	_ =	strace s19  }
0xb: {  	s3 =	sld [smem:$0x3FFC];
	_ =	sdelay $0x3  }
0xc: {  	_ =	strace s3  }
0xd: {  	s3 =	sld [smem:$0x3FFD];
	_ =	sdelay $0x3  }
0xe: {  	_ =	strace s3  }
0xf: {  	_ =	strace $0x8FFFFFFF  }
0x10: {  	s20 =	sld [smem:$0x3FDB];
	_ =	sdelay $0x1  }
0x11: {  	s4 =	simm.s32 $_scs_section_size  }
0x12: {  	s5 =	simm.s32 $_size__tile_overlayer_lowered;
	s6 =	simm.s32 $_tile_overlayer_lowered  }
0x13: {  	s23 =	simm.s32 $0x1BFF;
	s22 =	sshll.u32 s6, $0x1;
	s3 =	sadd.s32 s4, s20  }
0x14: {  	s7 =	simm.s32 $0x0;
	s21 =	sshll.u32 s5, $0x1;
	s5 =	sadd.s32 s22, s3  }
0x15: {  	[timem:s7], [sflag:s23] =	dma.local [hbm:s5], s21  }
0x16: {  	_ =	swait.ge [sflag:s23], s21  }
0x17: {  	s4 =	ssub.s32 $0x0, s21;
	[sflag:s23] =	ssyncset.done $0x0  }
0x18: {  	[sflag:s23] =	ssyncadd.s32 s4;
	_ =	sdelay $0x1  }
0x19: {  	s24 =	simm.s32 $0x1B8B  }
0x1a: {  	_ =	swait.ge [sflag:s24], $0x1  }
0x1b: {  	[sflag:s24] =	ssyncset.done $0x0  }
0x1c: {  	s26 =	simm.s32 $0x1B8E;
	s25 =	sld [smem:$0x3FFE];
	[sflag:s24] =	ssyncadd.s32 $0xFFFFFFFF  }
0x1d: {  	s27 =	simm.s32 $execute0_lowered;
	[smem:$0x3FD2] =	sst s26  }
0x1e: {  	s5 =	sshll.u32 s27, $0x1;
	_ =	strace $0x80000049;
	[dreg:$0x1] =	wrdreg $0xFFFFFFFF  }
0x1f: {  	s28 =	simm.s32 $_size_execute0_lowered;
	s3 =	sadd.s32 s3, s5;
	[dreg:$0x0] =	wrdreg $0x0  }
0x20: {  	s5 =	sshll.u32 s28, $0x1;
	[dreg:$0x2] =	wrdreg s3  }
0x21: {  	[dreg:$0x3] =	wrdreg s5  }
0x22: {  	[dreg:$0x4] =	wrdreg $0xC0  }
0x23: {  	_ =	task [dreg:s7], $0x5FFFF  }
0x24: {  	[dreg:$0x1] =	wrdreg $0xFFFFFFFF  }
0x25: {  	[dreg:$0x0] =	wrdreg $0x60  }
0x26: {  	[dreg:$0x2] =	wrdreg s25  }
0x27: {  	[dreg:$0x3] =	wrdreg s2  }
0x28: {  	[dreg:$0x4] =	wrdreg $0x9  }
0x29: {  	_ =	task.clear_ibuf [dreg:s7], $0x5FFFF;
	_ =	strace $0x90000049  }
0x2a: {  	s29 =	simm.s32 $0x9;
	_ =	strace $0x8000004B  }
0x2b: {  	_ =	swait.ge [sflag:s29], $0x1  }
0x2c: {  	[sflag:s29] =	ssyncadd.s32 $0xFFFFFFFF  }
0x2d: {  	_ =	strace $0x9000004B  }
0x2e: {  	_ =	sfence  }
0x2f: {  	s30 =	sld [smem:$0x0];
	_ =	sdelay $0x2  }
0x30: {  	s31 =	sshll.u32 s1, $0xD;
	s1 =	sshrl.u32 s1, $0x2  }
0x31: {  	s3 =	sand.u32 $0x4000, s31;
	s1 =	sadd.s32 s1, s30  }
0x32: {  	s0 =	sor.u32 s3, s0;
	s1 =	sshll.u32 s1, $0x11  }
0x33: {  	s0 =	sor.u32 s1, s0  }
0x34: {  	s0 =	sadd.s32 $0x8F2B, s0  }
0x35: {  	[sflag:s0] =	ssyncadd.remote.s32 $0x1  }
0x36: {  	_ =	sfence.sel $0xFFFF  }
0x37: {  	[dreg:$0x0] =	wrdreg $0xFFFFFFFF;
	(pc) =	sbr.abs _section_cstart, $3  }
0x38: {  	[dreg:$0x1] =	wrdreg $0xFFFFFFFF  }
0x39: {  	_ =	task.clear_ibuf [dreg:s7], $0x2FFFF;
	_ =	strace $0x9FFFFFFF  }
0x3a: {  	(tm) =	ssettm $0x7FFFFFFF  }
0x3b: {  	_ =	shalt  }
tec
execute0_lowered:
.L_overlay_start_1:
0x0: {  	(tag) =	ssettag $0x1  }
0x1: {  	s0 =	srdreg.scid  }
0x2: {  	s1 =	sshll.u32 s0, $0x4  }
0x3: {  	s0 =	stileid.u32;
	s1 =	sand.u32 $0x10, s1  }
0x4: {  	s1 =	sor.u32 s0, s1  }
0x5: {  	s6 =	rddreg [dreg:$0x0];
	s4 =	simm.s32 $0x1;
	s2 =	sshll.u32 s1, $0x7  }
0x6: {  	s7 =	simm.s32 $0x2;
	s12 =	simm.s32 $0x0;
	s1 =	ssub.s32 $0x1000, s2  }
0x7: {  	s8 =	simm.s32 $0x8000;
	s13 =	simm.s32 $0x0;
	s3 =	sand.u32 $0xF80, s1  }
0x8: {  	s9 =	simm.s32 $0x0;
	s5 =	sshrl.u32 s1, $0xC;
	p0 =	sne.s32 s3, $0x0  }
.Ltmp0:
0x9: {  	s1 =	rddreg [dreg:$0x2];
	s4 =	simm.s32 @!p0 $0x0;
	(pc) =	sbr.rel .LBB1_1-.Ltmp0, $4  }
0xa: {  	s11 =	simm.s32 $0x0;
	s3 =	rddreg [dreg:$0x1];
	s5 =	sadd.s32 s4, s5  }
0xb: {  	_ =	strace $0x8000004A;
	s4 =	simm.s32 $0x1;
	s5 =	smul.u32 $0xC8, s5  }
0xc: {  	s6 =	sadd.s32 $0xC00, s6;
	s10 =	smov.u32 s2;
	[sflag:s4] =	ssyncpa.u1 $0x0  }
0xd: {  	p0 =	por $0x0, $0x0;
	[sflag:s7] =	ssyncpa.u1 $0x0;
	s7 =	sor.u32 $0x1, s5  }
.LBB1_4:
0xe: {  	s16 =	sshll.u32 s13, $0x3;
	s17 =	sand.u32 $0x78, s13  }
0xf: {  	s30 =	sand.u32 $0x7E00, s13;
	s12 =	sshll.u32 s12, $0xF;
	s16 =	sand.u32 $0xC00, s16  }
0x10: {  	[tilespmem:s15+$0x810 ss:$0x81] =	vst.msk $0xffff, v2;
	s31 =	sand.u32 $0x7, s13;
	s16 =	sor.u32 s17, s16;
	s17 =	sadd.s32 s3, s30  }
0x11: {  	[tilespmem:s15+$0x1020 ss:$0x81] =	vst.msk $0xffff, v0;
	s13 =	sshll.u32 s31, $0x12;
	s12 =	sadd.s32 s12, s17;
	s16 =	sshrl.u32 s16, $0x3  }
0x12: {  	[tilespmem:s15+$0x0 ss:$0x81] =	vst.msk $0xffff, v1;
	s13 =	sor.u32 $0x400, s13;
	s12 =	sadd.s32 s16, s12  }
0x13: {  	[hbm4b:s12+s13] =	stream.strided.scatter [tilespmem:s14], [sflag:$0x2], $0x2000, s8, s13, $0x20;
	[tilespmem:$0x8080] =	vst v63  }
.LBB1_5:
0x14: {  	s14 =	sadd.s32 $0x1, s9  }
0x15: {  	s12 =	sadd.s32 $0x1000, s10;
	s16 =	smov.u32 s10;
	p2 =	sgt.s32 s14, $0xC7  }
0x16: {  	s16 =	smov.u32 @p2 s12  }
0x17: {  	s14 =	simm.s32 @p2 $0x0;
	p2 =	sgt.s32 s16, $0xFFF  }
0x18: {  	s16 =	smov.u32 @p2 s2;
	p2 =	sne.s32 s11, s7  }
.Ltmp1:
0x19: {  	p1 =	slt.u32 s11, $0x2;
	(pc) =	sbr.rel @!p2 .LBB1_6-.Ltmp1, $4  }
0x1a: {  	s15 =	simm.s32 @!p1 $0x2  }
0x1b: {  	s13 =	smov.u32 s10;
	p0 =	por !p0, !p0;
	_ =	swait.ge @!p1 [sflag:s15], $0x2000  }
0x1c: {  	s12 =	smov.u32 s9;
	[sflag:s15] =	ssyncset.done @!p1 $0x0;
	s9 =	smov.u32 s14  }
0x1d: {  	s11 =	sadd.s32 $0x1, s11;
	[sflag:s15] =	ssyncadd.s32 @!p1 $0xFFFFE000;
	s10 =	smov.u32 s16  }
.LBB1_1:
0x1e: {  	p1 =	sge.u32 s11, s5  }
0x1f: {  	s14 =	sand.u32 @!p1 $0x1FFFFFF, s9  }
0x20: {  	s15 =	smulhi.u32 @!p1 $0x147AE15, s14;
	_ =	sdelay $0x1  }
0x21: {  	s15 =	smul.u32 @!p1 $0xC8, s15  }
0x22: {  	s16 =	sxor.u32 @!p1 $0xFFFFFFFF, s11;
	s17 =	smul.u32 @!p1 $0xC80, s10  }
0x23: {  	s31 =	sadd.s32 $0xFFFFFFFF, s11;
	s16 =	sshll.u32 @!p1 s16, $0xD;
	s14 =	ssub.s32 @!p1 s14, s15  }
0x24: {  	s15 =	sand.u32 @!p1 $0x2000, s16;
	s16 =	sadd.s32 @!p1 s6, s17;
	s14 =	sshll.u32 @!p1 s14, $0x4  }
0x25: {  	s17 =	simm.s32 @!p1 $0x6400;
	s14 =	sadd.s32 @!p1 s14, s16;
	s16 =	simm.s32 @!p1 $0x40  }
0x26: {  	[tilespmem:s15], [sflag:$0x1] =	stream.strided.gather @!p1 [hbm4b:s14+s16], $0x2000, s17, s16, $0x38;
	[tilespmem:$0x8080] =	vst v63  }
0x27: {  	p1 =	sge.u32 s31, s5  }
.Ltmp2:
0x28: {  	_ = 	snop;
	(pc) =	sbr.rel @p1 .LBB1_5-.Ltmp2, $1  }
0x29: {  	_ =	sdelay $0x3  }
0x2a: {  	s14 =	simm.s32 $0x1  }
0x2b: {  	_ =	swait.ge [sflag:s4], $0x2000;
	s14 =	simm.s32 @!p0 $0x0  }
0x2c: {  	[sflag:s4] =	ssyncset.done $0x0;
	s15 =	sshll.u32 s14, $0xD  }
0x2d: {  	[sflag:s4] =	ssyncadd.s32 $0xFFFFE000;
	s18 =	sor.u32 $0x20, s15  }
0x2e: {  	s14 =	smul.u32 $0x8100, s14;
	v3 =	vld [tilespmem:s18+$0x10]  }
0x2f: {  	s30 =	sand.u32 $0x1, s11;
	v2 =	vld [tilespmem:s18+$0xFFFFFFF0]  }
0x30: {  	s15 =	smul.u32 $0x8100, s30;
	s14 =	sshrl.u32 s14, $0x2;
	v0 =	vld [tilespmem:s18+$0x0]  }
0x31: {  	v1 =	vld [tilespmem:s18+$0xFFFFFFE0];
	s16 =	sor.u32 $0x4000, s14  }
0x32: {  	s31 =	sshrl.u32 s15, $0x2;
	s15 =	sadd.s32 $0x0, s16  }
0x33: {  	s17 =	simm.s32 $0x4;
	s18 =	sadd.s32 $0x40, s18;
	s14 =	sor.u32 $0x4000, s31;
	[tilespmem:s15+$0x1830 ss:$0x81] =	vst.msk $0xffff, v3  }
.LBB1_3:
0x34: {  	v3 =	vld [tilespmem:s18+$0x10];
	p1 =	sne.s32 s17, $0x1FC;
	[tilespmem:s15+$0x810 ss:$0x81] =	vst.msk $0xffff, v2;
	s19 =	smov.u32 s17;
	s17 =	sadd.s32 $0x4, s17  }
.Ltmp3:
0x35: {  	v2 =	vld [tilespmem:s18+$0xFFFFFFF0];
	[tilespmem:s15+$0x1020 ss:$0x81] =	vst.msk $0xffff, v0;
	(pc) =	sbr.rel @p1 .LBB1_3-.Ltmp3, $4  }
0x36: {  	v0 =	vld [tilespmem:s18+$0x0];
	[tilespmem:s15+$0x0 ss:$0x81] =	vst.msk $0xffff, v1  }
0x37: {  	s15 =	sshra.s32 s19, $0x2;
	v1 =	vld [tilespmem:s18+$0xFFFFFFE0]  }
0x38: {  	s15 =	sadd.s32 s15, s16  }
0x39: {  	s18 =	sadd.s32 $0x40, s18;
	[tilespmem:s15+$0x1830 ss:$0x81] =	vst.msk $0xffff, v3  }
.Ltmp4:
0x3a: {  	_ = 	snop;
	(pc) =	sbr.rel .LBB1_4-.Ltmp4, $1  }
0x3b: {  	_ =	sdelay $0x3  }
.LBB1_6:
0x3c: {  	_ =	sfence.sel $0x180000  }
0x3d: {  	s2 =	simm.s32 $0x1;
	[bflag:$0x0] =	sbarrier.arrive $0xFFFF  }
0x3e: {  	s31 =	simm.s32 $0x2;
	[sflag:s2] =	ssyncpa.u1 $0x1  }
0x3f: {  	[sflag:s31] =	ssyncpa.u1 $0x1  }
0x40: {  	p0 =	sne.s32 s0, $0x0;
	_ =	strace $0x9000004A  }
0x41: {  	s0 =	sadd.s32 @!p0 $0x100000, s1;
	[bflag:$0x2] =	sbarrier.arrive $0xFFFF  }
0x42: {  	[sflag:s0] =	ssyncadd.tile.s32 @!p0 $0x1;
	_ =	shalt  }
.Lfunc_end1:
_tile_overlayer_lowered:
.L_overlay_start_2:
0x43: {  	(tag) =	ssettag $0x2  }
0x44: {  	s0 =	rddreg [dreg:$0x0];
	s2 =	stileid.u32  }
0x45: {  	s1 =	rddreg [dreg:$0x1];
	p0 =	sne.s32 s2, $0x0  }
0x46: {  	s3 =	rddreg [dreg:$0x2];
	[bflag:$0x3] =	sbarrier.arrive $0xFFFF;
	s2 =	simm.s32 @!p0 $0x1C01  }
0x47: {  	[timem:s3], [sflag:s2] =	dma.local @!p0 [hbm:s0], s1  }
0x48: {  	s0 =	simm.s32 @!p0 $0x1  }
0x49: {  	_ =	swait.ge @!p0 [sflag:s0], s1  }
0x4a: {  	s1 =	ssub.s32 @!p0 $0x0, s1;
	[sflag:s0] =	ssyncset.done @!p0 $0x0  }
0x4b: {  	[sflag:s0] =	ssyncadd.s32 @!p0 s1  }
0x4c: {  	[bflag:$0x3] =	sbarrier.arrive $0xFFFF  }
0x4d: {  	_ =	shalt  }

</sc_bundles>
